<compile_context>
chip_gen: v7x
topology: tpu7x:2x2x1
jax: 0.10.2.dev20260603
libtpu: 0.0.44.dev20260713+nightly
codegen_flags: <defaults>
</compile_context>

<pallas_src>
import functools

import jax
import jax.numpy as jnp
from jax import lax
from jax.experimental import pallas as pl
from jax.experimental.pallas import tpu as pltpu
from jax.experimental.pallas import tpu_sc as plsc

NC = 2
NS = 16
NW = NC * NS
RPS = 128
NG = 4
GR = NG * RPS


PREP_BLK = 8192
PREP_G = 62
H2 = PREP_G * PREP_BLK
HALF_OFF = (PREP_G - 1) * PREP_BLK


def _prep_pack_tc(table):
    V, D = table.shape
    tt = table.T
    eye = jnp.eye(D, dtype=jnp.float32)

    def body(x1_ref, x2_ref, i_ref, o_ref):
        o_ref[:, :D] = jax.lax.dot_general(
            x1_ref[...], i_ref[...], (((0,), (0,)), ((), ())),
            preferred_element_type=jnp.float32,
        )
        o_ref[:, D:] = jax.lax.dot_general(
            x2_ref[...], i_ref[...], (((0,), (0,)), ((), ())),
            preferred_element_type=jnp.float32,
        )

    return pl.pallas_call(
        body,
        grid=(PREP_G,),
        in_specs=[
            pl.BlockSpec((D, PREP_BLK), lambda i: (0, i)),
            pl.BlockSpec((D, PREP_BLK), lambda i: (0, i + PREP_G - 1)),
            pl.BlockSpec((D, D), lambda i: (0, 0)),
        ],
        out_specs=pl.BlockSpec((PREP_BLK, 2 * D), lambda i: (i, 0)),
        out_shape=jax.ShapeDtypeStruct((H2, 2 * D), jnp.float32),
    )(tt, tt, eye)


def _gather_sc(table, ids2d):
    V2, D = table.shape
    R = ids2d.shape[0]
    K = R // NW
    RAWK = 224
    ROWS_PER_L = 4096 // RPS
    groups = K // NG
    rows_w = K * RPS
    mesh = plsc.VectorSubcoreMesh(core_axis_name="c", subcore_axis_name="s")

    @functools.partial(
        pl.kernel,
        out_type=jax.ShapeDtypeStruct((R * RPS, D), jnp.float32),
        mesh=mesh,
        compiler_params=pltpu.CompilerParams(
            use_tc_tiling_on_sc=False, needs_layout_passes=False
        ),
        scratch_types=[
            pltpu.VMEM((RAWK, RPS), jnp.int32),
            pltpu.VMEM((K, RPS), jnp.int32),
            pltpu.VMEM((2, GR, D), jnp.float32),
            pltpu.SemaphoreType.DMA,
            pltpu.SemaphoreType.DMA,
        ],
    )
    def k(table_hbm, ids_hbm, out_hbm, raw_v, idx_v, buf_v, gsem, wsem):
        wid = lax.axis_index("s") * NC + lax.axis_index("c")
        tbl = table_hbm
        out_base = wid * rows_w
        l0 = (wid * K) // ROWS_PER_L
        pltpu.sync_copy(ids_hbm.at[pl.ds(l0 * ROWS_PER_L, RAWK)], raw_v)

        lane = lax.iota(jnp.int32, 16)
        half = lane & 1
        tpos = lane >> 1

        def build(j, carry):
            gc = wid * K + j
            l_rel = gc // ROWS_PER_L - l0
            c32 = gc % ROWS_PER_L
            base = l_rel * 4096 + c32 * (RPS // 2)
            for kk in range(RPS // 16):
                flat = base + (8 * kk + tpos) + half * 2048
                v = plsc.load_gather(raw_v, [flat >> 7, flat & 127])
                v2 = jnp.where(v < H2, 2 * v, 2 * (v - HALF_OFF) + 1)
                idx_v[j, pl.ds(16 * kk, 16)] = v2
            return carry

        lax.fori_loop(0, K, build, 0)

        def fire(g, h):
            for t in range(NG):
                pltpu.async_copy(
                    tbl.at[idx_v.at[g * NG + t]],
                    buf_v.at[h, pl.ds(t * RPS, RPS)],
                    gsem,
                )

        def drain_gathers(h):
            pltpu.make_async_copy(
                tbl.at[pl.ds(0, GR)], buf_v.at[h], gsem
            ).wait()

        def issue_write(g, h):
            pltpu.async_copy(
                buf_v.at[h],
                out_hbm.at[pl.ds(out_base + g * GR, GR)],
                wsem,
            )

        def drain_write(h):
            pltpu.make_async_copy(
                out_hbm.at[pl.ds(0, GR)],
                buf_v.at[h],
                wsem,
            ).wait()

        fire(0, 0)

        def body(g, carry):
            h = lax.rem(g, 2)

            @pl.when(g + 1 < groups)
            def _():
                @pl.when(g >= 1)
                def _():
                    drain_write(1 - h)

                fire(g + 1, 1 - h)

            drain_gathers(h)
            issue_write(g, h)
            return carry

        lax.fori_loop(0, groups, body, 0)
        drain_write(0)
        drain_write(1)

    return k(table, ids2d)


def _linear_tc_nt(x2, w2, b2, B, L, D):
    rows_l = B // 2

    def body(x_ref, w_ref, b_ref, o_ref):
        y = jax.lax.dot_general(
            w_ref[...],
            x_ref[...],
            (((1,), (1,)), ((), ())),
            preferred_element_type=jnp.float32,
        )
        y = y + b_ref[...]
        o_ref[0, :, : B // 2] = y[:D, :]
        o_ref[0, :, B // 2 :] = y[D:, :]

    return pl.pallas_call(
        body,
        grid=(L,),
        in_specs=[
            pl.BlockSpec((rows_l, 2 * D), lambda i: (i, 0)),
            pl.BlockSpec((2 * D, 2 * D), lambda i: (0, 0)),
            pl.BlockSpec((2 * D, 1), lambda i: (0, 0)),
        ],
        out_specs=pl.BlockSpec((1, D, B), lambda i: (i, 0, 0)),
        out_shape=jax.ShapeDtypeStruct((L, D, B), jnp.float32),
    )(x2, w2, b2)


def kernel(input_ids, table, W, b):
    B, L = input_ids.shape
    V, D = table.shape
    ids2d = input_ids.T.reshape(-1, RPS)
    tpack = _prep_pack_tc(table)
    tview = tpack.reshape(2 * H2, D)
    inter = _gather_sc(tview, ids2d)
    x2 = inter.reshape(-1, 2 * D)
    z = jnp.zeros_like(W)
    w2 = jnp.block([[W, z], [z, W]])
    b2 = jnp.concatenate([b, b]).reshape(2 * D, 1)
    outp = _linear_tc_nt(x2, w2, b2, B, L, D)
    return outp.transpose(2, 0, 1)

# --- scband reference (transcript-rebuilt; emitter-appended) ---
"""Pipeline reference for scband-injected-text-embedding-38053410243359 (READ-ONLY COPY).

The authoritative reference and input builder live on the scoring server;
editing this copy changes nothing except your own understanding.
"""

import jax, jax.numpy as jnp
import numpy as np

VOCAB = 1000000
EMBED_DIM = 64
BATCH = 4096
HIST = 200

def setup_inputs(seed: int = 0) -> dict:
    key = jax.random.key(seed)
    k_ids, k_tab, k_w, k_b = jax.random.split(key, 4)
    input_ids = jax.random.randint(k_ids, (BATCH, HIST), 0, VOCAB, dtype=jnp.int64 if jax.config.read('jax_enable_x64') else jnp.int32)
    table = jax.random.normal(k_tab, (VOCAB, EMBED_DIM), dtype=jnp.float32) * 0.02
    W = jax.random.normal(k_w, (EMBED_DIM, EMBED_DIM), dtype=jnp.float32) * (1.0 / np.sqrt(EMBED_DIM))
    b = jax.random.normal(k_b, (EMBED_DIM,), dtype=jnp.float32) * 0.01
    return {"input_ids": input_ids, "table": table, "W": W, "b": b}

def reference(input_ids, table, W, b):
    # orig_embed: embedding lookup (gather)
    embeddings = jnp.take(table, input_ids, axis=0)  # [B, L, D]
    # entity_mod: linear enrichment (nn.Linear: x @ W.T + b)
    enriched = jnp.einsum('bld,ed->ble', embeddings, W) + b
    # .to(target_dtype) -> float32
    return enriched.astype(jnp.float32)

if __name__ == "__main__":
    import jax
    _d = setup_inputs()
    print(jax.jit(kernel)(*tuple(_d.values())))

</pallas_src>

<mosaic_0001>
#map = affine_map<(d0, d1) -> (0, 0)>
module attributes {stable_mosaic.version = 14 : i64} {
  func.func @k(%arg0: i32, %arg1: i32, %arg2: memref<1015808x64xf32, #tpu.memory_space<hbm>>, %arg3: memref<6400x128xi32, #tpu.memory_space<hbm>>, %arg4: memref<819200x64xf32, #tpu.memory_space<hbm>>, %arg5: memref<224x128xi32, #tpu.memory_space<vmem>>, %arg6: memref<200x128xi32, #tpu.memory_space<vmem>>, %arg7: memref<2x512x64xf32, #tpu.memory_space<vmem>>, %arg8: memref<!tpu.dma_semaphore, #tpu.memory_space<semaphore_mem>>, %arg9: memref<!tpu.dma_semaphore, #tpu.memory_space<semaphore_mem>>) attributes {dimension_semantics = [#tpu.dimension_semantics<core_parallel>, #tpu.dimension_semantics<subcore_parallel>], iteration_bounds = array<i64: 2, 16>, scalar_prefetch = 0 : i64, scratch_operands = 5 : i64, tpu.core_type = #tpu.core_type<sc_vector_subcore>, window_params = [{transform_indices = #map}, {transform_indices = #map}, {transform_indices = #map}]} {
    %mul3A = arith.constant 2 : i32
    %mul3A_0 = arith.muli %arg1, %mul3A : i32
    %add3A = arith.addi %mul3A_0, %arg0 : i32
    %mul3A_1 = arith.constant 25600 : i32
    %mul3A_2 = arith.muli %add3A, %mul3A_1 : i32
    %mul3A_3 = arith.constant 200 : i32
    %mul3A_4 = arith.muli %add3A, %mul3A_3 : i32
    %jit3A = arith.constant 32 : i32
    %div3A = arith.divsi %mul3A_4, %jit3A : i32
    %sign3A = arith.constant 0 : i32
    %sign3A_5 = arith.cmpi sgt, %mul3A_4, %sign3A : i32
    %sign3A_6 = arith.extui %sign3A_5 : i1 to i32
    %sign3A_7 = arith.constant 0 : i32
    %sign3A_8 = arith.cmpi slt, %mul3A_4, %sign3A_7 : i32
    %sign3A_9 = arith.extui %sign3A_8 : i1 to i32
    %sign3A_10 = arith.subi %sign3A_6, %sign3A_9 : i32
    %sign3A_11 = arith.constant 0 : i32
    %sign3A_12 = arith.cmpi sgt, %jit3A, %sign3A_11 : i32
    %sign3A_13 = arith.extui %sign3A_12 : i1 to i32
    %sign3A_14 = arith.constant 0 : i32
    %sign3A_15 = arith.cmpi slt, %jit3A, %sign3A_14 : i32
    %sign3A_16 = arith.extui %sign3A_15 : i1 to i32
    %sign3A_17 = arith.subi %sign3A_13, %sign3A_16 : i32
    %ne3A = arith.cmpi ne, %sign3A_10, %sign3A_17 : i32
    %rem3A = arith.remsi %mul3A_4, %jit3A : i32
    %ne3A_18 = arith.constant 0 : i32
    %ne3A_19 = arith.cmpi ne, %rem3A, %ne3A_18 : i32
    %and3A = arith.andi %ne3A, %ne3A_19 : i1
    %sub3A = arith.constant 1 : i32
    %sub3A_20 = arith.subi %div3A, %sub3A : i32
    %select_n3A = arith.select %and3A, %sub3A_20, %div3A : i32
    %mul3A_21 = arith.constant 32 : i32
    %mul3A_22 = arith.muli %select_n3A, %mul3A_21 : i32
    "tpu.region"() ({
      %run_scoped3A = tpu.sem_alloc : memref<!tpu.dma_semaphore, #tpu.memory_space<semaphore_mem>>
      %dma_start3A_115 = arith.constant 0 : i32
      %dma_start3A_116 = tpu.memref_slice %arg3[%mul3A_22, %dma_start3A_115] : memref<6400x128xi32, #tpu.memory_space<hbm>> -> memref<224x128xi32, #tpu.memory_space<hbm>>
      %dma_start3A_117 = arith.constant 0 : i32
      %dma_start3A_118 = tpu.memref_slice %arg3[%mul3A_22, %dma_start3A_117] : memref<6400x128xi32, #tpu.memory_space<hbm>> -> memref<224x128xi32, #tpu.memory_space<hbm>>
      tpu.enqueue_dma source(%dma_start3A_118 : memref<224x128xi32, #tpu.memory_space<hbm>>) target(%arg5 : memref<224x128xi32, #tpu.memory_space<vmem>>) target_semaphore(%run_scoped3A : memref<!tpu.dma_semaphore, #tpu.memory_space<semaphore_mem>>)
      %dma_wait3A_119 = arith.constant 0 : i32
      %dma_wait3A_120 = tpu.memref_slice %arg3[%mul3A_22, %dma_wait3A_119] : memref<6400x128xi32, #tpu.memory_space<hbm>> -> memref<224x128xi32, #tpu.memory_space<hbm>>
      %dma_wait3A_121 = arith.constant 0 : i32
      %dma_wait3A_122 = tpu.memref_slice %arg3[%mul3A_22, %dma_wait3A_121] : memref<6400x128xi32, #tpu.memory_space<hbm>> -> memref<224x128xi32, #tpu.memory_space<hbm>>
      tpu.wait_dma2 semaphore(%run_scoped3A : memref<!tpu.dma_semaphore, #tpu.memory_space<semaphore_mem>>) src(%dma_wait3A_122 : memref<224x128xi32, #tpu.memory_space<hbm>>) dst(%arg5 : memref<224x128xi32, #tpu.memory_space<vmem>>)
      tpu.yield
    }) : () -> ()
    %iota3A = tpu.iota {dimensions = array<i32: 0>} : vector<16xi32>
    %and3A_23 = arith.constant 1 : i32
    %and3A_24 = vector.broadcast %and3A_23 : i32 to vector<16xi32>
    %and3A_25 = arith.andi %iota3A, %and3A_24 : vector<16xi32>
    %shift_right_arithmetic3A = arith.constant 1 : i32
    %shift_right_arithmetic3A_26 = vector.broadcast %shift_right_arithmetic3A : i32 to vector<16xi32>
    %shift_right_arithmetic3A_27 = arith.shrsi %iota3A, %shift_right_arithmetic3A_26 : vector<16xi32>
    %scan3A = arith.constant 0 : i32
    %scan3A_28 = arith.constant 0 : i32
    %scan3A_29 = arith.constant 200 : i32
    %scan3A_30 = arith.addi %scan3A_28, %scan3A_29 : i32
    %scan3A_31 = arith.constant 1 : i32
    scf.for %scan3A_115 = %scan3A_28 to %scan3A_30 step %scan3A_31  : i32 {
      %mul3A_116 = arith.constant 200 : i32
      %mul3A_117 = arith.muli %add3A, %mul3A_116 : i32
      %add3A_118 = arith.addi %mul3A_117, %scan3A_115 : i32
      %jit3A_119 = arith.constant 32 : i32
      %div3A_120 = arith.divsi %add3A_118, %jit3A_119 : i32
      %sign3A_121 = arith.constant 0 : i32
      %sign3A_122 = arith.cmpi sgt, %add3A_118, %sign3A_121 : i32
      %sign3A_123 = arith.extui %sign3A_122 : i1 to i32
      %sign3A_124 = arith.constant 0 : i32
      %sign3A_125 = arith.cmpi slt, %add3A_118, %sign3A_124 : i32
      %sign3A_126 = arith.extui %sign3A_125 : i1 to i32
      %sign3A_127 = arith.subi %sign3A_123, %sign3A_126 : i32
      %sign3A_128 = arith.constant 0 : i32
      %sign3A_129 = arith.cmpi sgt, %jit3A_119, %sign3A_128 : i32
      %sign3A_130 = arith.extui %sign3A_129 : i1 to i32
      %sign3A_131 = arith.constant 0 : i32
      %sign3A_132 = arith.cmpi slt, %jit3A_119, %sign3A_131 : i32
      %sign3A_133 = arith.extui %sign3A_132 : i1 to i32
      %sign3A_134 = arith.subi %sign3A_130, %sign3A_133 : i32
      %ne3A_135 = arith.cmpi ne, %sign3A_127, %sign3A_134 : i32
      %rem3A_136 = arith.remsi %add3A_118, %jit3A_119 : i32
      %ne3A_137 = arith.constant 0 : i32
      %ne3A_138 = arith.cmpi ne, %rem3A_136, %ne3A_137 : i32
      %and3A_139 = arith.andi %ne3A_135, %ne3A_138 : i1
      %sub3A_140 = arith.constant 1 : i32
      %sub3A_141 = arith.subi %div3A_120, %sub3A_140 : i32
      %select_n3A_142 = arith.select %and3A_139, %sub3A_141, %div3A_120 : i32
      %sub3A_143 = arith.subi %select_n3A_142, %select_n3A : i32
      %jit3A_144 = arith.constant 32 : i32
      %eq3A = arith.constant 0 : i32
      %eq3A_145 = arith.cmpi eq, %jit3A_144, %eq3A : i32
      %jit3A_146 = arith.constant 1 : i32
      %select_n3A_147 = arith.select %eq3A_145, %jit3A_146, %jit3A_144 : i32
      %rem3A_148 = arith.remsi %add3A_118, %select_n3A_147 : i32
      %ne3A_149 = arith.constant 0 : i32
      %ne3A_150 = arith.cmpi ne, %rem3A_148, %ne3A_149 : i32
      %lt3A = arith.constant 0 : i32
      %lt3A_151 = arith.cmpi slt, %rem3A_148, %lt3A : i32
      %lt3A_152 = arith.constant 0 : i32
      %lt3A_153 = arith.cmpi slt, %select_n3A_147, %lt3A_152 : i32
      %ne3A_154 = arith.xori %lt3A_151, %lt3A_153 : i1
      %and3A_155 = arith.andi %ne3A_154, %ne3A_150 : i1
      %add3A_156 = arith.addi %rem3A_148, %select_n3A_147 : i32
      %select_n3A_157 = arith.select %and3A_155, %add3A_156, %rem3A_148 : i32
      %mul3A_158 = arith.constant 4096 : i32
      %mul3A_159 = arith.muli %sub3A_143, %mul3A_158 : i32
      %mul3A_160 = arith.constant 64 : i32
      %mul3A_161 = arith.muli %select_n3A_157, %mul3A_160 : i32
      %add3A_162 = arith.addi %mul3A_159, %mul3A_161 : i32
      %add3A_163 = arith.constant 0 : i32
      %add3A_164 = vector.broadcast %add3A_163 : i32 to vector<16xi32>
      %add3A_165 = arith.addi %add3A_164, %shift_right_arithmetic3A_27 : vector<16xi32>
      %add3A_166 = vector.broadcast %add3A_162 : i32 to vector<16xi32>
      %add3A_167 = arith.addi %add3A_166, %add3A_165 : vector<16xi32>
      %mul3A_168 = arith.constant 2048 : i32
      %mul3A_169 = vector.broadcast %mul3A_168 : i32 to vector<16xi32>
      %mul3A_170 = arith.muli %and3A_25, %mul3A_169 : vector<16xi32>
      %add3A_171 = arith.addi %add3A_167, %mul3A_170 : vector<16xi32>
      %shift_right_arithmetic3A_172 = arith.constant 7 : i32
      %shift_right_arithmetic3A_173 = vector.broadcast %shift_right_arithmetic3A_172 : i32 to vector<16xi32>
      %shift_right_arithmetic3A_174 = arith.shrsi %add3A_171, %shift_right_arithmetic3A_173 : vector<16xi32>
      %and3A_175 = arith.constant 127 : i32
      %and3A_176 = vector.broadcast %and3A_175 : i32 to vector<16xi32>
      %and3A_177 = arith.andi %add3A_171, %and3A_176 : vector<16xi32>
      %gather3A = tpu.vector_load_idx %arg5[%shift_right_arithmetic3A_174, %and3A_177] : memref<224x128xi32, #tpu.memory_space<vmem>>[vector<16xi32>, vector<16xi32>], vector<16xi32>,
      %lt3A_178 = arith.constant 507904 : i32
      %lt3A_179 = vector.broadcast %lt3A_178 : i32 to vector<16xi32>
      %lt3A_180 = arith.cmpi slt, %gather3A, %lt3A_179 : vector<16xi32>
      %mul3A_181 = arith.constant 2 : i32
      %mul3A_182 = vector.broadcast %mul3A_181 : i32 to vector<16xi32>
      %mul3A_183 = arith.muli %mul3A_182, %gather3A : vector<16xi32>
      %sub3A_184 = arith.constant 499712 : i32
      %sub3A_185 = vector.broadcast %sub3A_184 : i32 to vector<16xi32>
      %sub3A_186 = arith.subi %gather3A, %sub3A_185 : vector<16xi32>
      %mul3A_187 = arith.constant 2 : i32
      %mul3A_188 = vector.broadcast %mul3A_187 : i32 to vector<16xi32>
      %mul3A_189 = arith.muli %mul3A_188, %sub3A_186 : vector<16xi32>
      %add3A_190 = arith.constant 1 : i32
      %add3A_191 = vector.broadcast %add3A_190 : i32 to vector<16xi32>
      %add3A_192 = arith.addi %mul3A_189, %add3A_191 : vector<16xi32>
      %select_n3A_193 = arith.select %lt3A_180, %mul3A_183, %add3A_192 : vector<16xi1>, vector<16xi32>
      %swap3A = arith.index_cast %scan3A_115 : i32 to index
      %swap3A_194 = arith.constant 0 : index
      %swap3A_195 = tpu.vector_load %arg6[%swap3A, %swap3A_194] {strides = array<i32>} : memref<200x128xi32, #tpu.memory_space<vmem>>, vector<16xi32>,
      tpu.vector_store %arg6[%swap3A, %swap3A_194], %select_n3A_193 {strides = array<i32>} : memref<200x128xi32, #tpu.memory_space<vmem>>, vector<16xi32>,
      %add3A_196 = arith.constant 8 : i32
      %add3A_197 = vector.broadcast %add3A_196 : i32 to vector<16xi32>
      %add3A_198 = arith.addi %add3A_197, %shift_right_arithmetic3A_27 : vector<16xi32>
      %add3A_199 = vector.broadcast %add3A_162 : i32 to vector<16xi32>
      %add3A_200 = arith.addi %add3A_199, %add3A_198 : vector<16xi32>
      %mul3A_201 = arith.constant 2048 : i32
      %mul3A_202 = vector.broadcast %mul3A_201 : i32 to vector<16xi32>
      %mul3A_203 = arith.muli %and3A_25, %mul3A_202 : vector<16xi32>
      %add3A_204 = arith.addi %add3A_200, %mul3A_203 : vector<16xi32>
      %shift_right_arithmetic3A_205 = arith.constant 7 : i32
      %shift_right_arithmetic3A_206 = vector.broadcast %shift_right_arithmetic3A_205 : i32 to vector<16xi32>
      %shift_right_arithmetic3A_207 = arith.shrsi %add3A_204, %shift_right_arithmetic3A_206 : vector<16xi32>
      %and3A_208 = arith.constant 127 : i32
      %and3A_209 = vector.broadcast %and3A_208 : i32 to vector<16xi32>
      %and3A_210 = arith.andi %add3A_204, %and3A_209 : vector<16xi32>
      %gather3A_211 = tpu.vector_load_idx %arg5[%shift_right_arithmetic3A_207, %and3A_210] : memref<224x128xi32, #tpu.memory_space<vmem>>[vector<16xi32>, vector<16xi32>], vector<16xi32>,
      %lt3A_212 = arith.constant 507904 : i32
      %lt3A_213 = vector.broadcast %lt3A_212 : i32 to vector<16xi32>
      %lt3A_214 = arith.cmpi slt, %gather3A_211, %lt3A_213 : vector<16xi32>
      %mul3A_215 = arith.constant 2 : i32
      %mul3A_216 = vector.broadcast %mul3A_215 : i32 to vector<16xi32>
      %mul3A_217 = arith.muli %mul3A_216, %gather3A_211 : vector<16xi32>
      %sub3A_218 = arith.constant 499712 : i32
      %sub3A_219 = vector.broadcast %sub3A_218 : i32 to vector<16xi32>
      %sub3A_220 = arith.subi %gather3A_211, %sub3A_219 : vector<16xi32>
      %mul3A_221 = arith.constant 2 : i32
      %mul3A_222 = vector.broadcast %mul3A_221 : i32 to vector<16xi32>
      %mul3A_223 = arith.muli %mul3A_222, %sub3A_220 : vector<16xi32>
      %add3A_224 = arith.constant 1 : i32
      %add3A_225 = vector.broadcast %add3A_224 : i32 to vector<16xi32>
      %add3A_226 = arith.addi %mul3A_223, %add3A_225 : vector<16xi32>
      %select_n3A_227 = arith.select %lt3A_214, %mul3A_217, %add3A_226 : vector<16xi1>, vector<16xi32>
      %swap3A_228 = arith.index_cast %scan3A_115 : i32 to index
      %swap3A_229 = arith.constant 16 : index
      %swap3A_230 = tpu.vector_load %arg6[%swap3A_228, %swap3A_229] {strides = array<i32>} : memref<200x128xi32, #tpu.memory_space<vmem>>, vector<16xi32>,
      tpu.vector_store %arg6[%swap3A_228, %swap3A_229], %select_n3A_227 {strides = array<i32>} : memref<200x128xi32, #tpu.memory_space<vmem>>, vector<16xi32>,
      %add3A_231 = arith.constant 16 : i32
      %add3A_232 = vector.broadcast %add3A_231 : i32 to vector<16xi32>
      %add3A_233 = arith.addi %add3A_232, %shift_right_arithmetic3A_27 : vector<16xi32>
      %add3A_234 = vector.broadcast %add3A_162 : i32 to vector<16xi32>
      %add3A_235 = arith.addi %add3A_234, %add3A_233 : vector<16xi32>
      %mul3A_236 = arith.constant 2048 : i32
      %mul3A_237 = vector.broadcast %mul3A_236 : i32 to vector<16xi32>
      %mul3A_238 = arith.muli %and3A_25, %mul3A_237 : vector<16xi32>
      %add3A_239 = arith.addi %add3A_235, %mul3A_238 : vector<16xi32>
      %shift_right_arithmetic3A_240 = arith.constant 7 : i32
      %shift_right_arithmetic3A_241 = vector.broadcast %shift_right_arithmetic3A_240 : i32 to vector<16xi32>
      %shift_right_arithmetic3A_242 = arith.shrsi %add3A_239, %shift_right_arithmetic3A_241 : vector<16xi32>
      %and3A_243 = arith.constant 127 : i32
      %and3A_244 = vector.broadcast %and3A_243 : i32 to vector<16xi32>
      %and3A_245 = arith.andi %add3A_239, %and3A_244 : vector<16xi32>
      %gather3A_246 = tpu.vector_load_idx %arg5[%shift_right_arithmetic3A_242, %and3A_245] : memref<224x128xi32, #tpu.memory_space<vmem>>[vector<16xi32>, vector<16xi32>], vector<16xi32>,
      %lt3A_247 = arith.constant 507904 : i32
      %lt3A_248 = vector.broadcast %lt3A_247 : i32 to vector<16xi32>
      %lt3A_249 = arith.cmpi slt, %gather3A_246, %lt3A_248 : vector<16xi32>
      %mul3A_250 = arith.constant 2 : i32
      %mul3A_251 = vector.broadcast %mul3A_250 : i32 to vector<16xi32>
      %mul3A_252 = arith.muli %mul3A_251, %gather3A_246 : vector<16xi32>
      %sub3A_253 = arith.constant 499712 : i32
      %sub3A_254 = vector.broadcast %sub3A_253 : i32 to vector<16xi32>
      %sub3A_255 = arith.subi %gather3A_246, %sub3A_254 : vector<16xi32>
      %mul3A_256 = arith.constant 2 : i32
      %mul3A_257 = vector.broadcast %mul3A_256 : i32 to vector<16xi32>
      %mul3A_258 = arith.muli %mul3A_257, %sub3A_255 : vector<16xi32>
      %add3A_259 = arith.constant 1 : i32
      %add3A_260 = vector.broadcast %add3A_259 : i32 to vector<16xi32>
      %add3A_261 = arith.addi %mul3A_258, %add3A_260 : vector<16xi32>
      %select_n3A_262 = arith.select %lt3A_249, %mul3A_252, %add3A_261 : vector<16xi1>, vector<16xi32>
      %swap3A_263 = arith.index_cast %scan3A_115 : i32 to index
      %swap3A_264 = arith.constant 32 : index
      %swap3A_265 = tpu.vector_load %arg6[%swap3A_263, %swap3A_264] {strides = array<i32>} : memref<200x128xi32, #tpu.memory_space<vmem>>, vector<16xi32>,
      tpu.vector_store %arg6[%swap3A_263, %swap3A_264], %select_n3A_262 {strides = array<i32>} : memref<200x128xi32, #tpu.memory_space<vmem>>, vector<16xi32>,
      %add3A_266 = arith.constant 24 : i32
      %add3A_267 = vector.broadcast %add3A_266 : i32 to vector<16xi32>
      %add3A_268 = arith.addi %add3A_267, %shift_right_arithmetic3A_27 : vector<16xi32>
      %add3A_269 = vector.broadcast %add3A_162 : i32 to vector<16xi32>
      %add3A_270 = arith.addi %add3A_269, %add3A_268 : vector<16xi32>
      %mul3A_271 = arith.constant 2048 : i32
      %mul3A_272 = vector.broadcast %mul3A_271 : i32 to vector<16xi32>
      %mul3A_273 = arith.muli %and3A_25, %mul3A_272 : vector<16xi32>
      %add3A_274 = arith.addi %add3A_270, %mul3A_273 : vector<16xi32>
      %shift_right_arithmetic3A_275 = arith.constant 7 : i32
      %shift_right_arithmetic3A_276 = vector.broadcast %shift_right_arithmetic3A_275 : i32 to vector<16xi32>
      %shift_right_arithmetic3A_277 = arith.shrsi %add3A_274, %shift_right_arithmetic3A_276 : vector<16xi32>
      %and3A_278 = arith.constant 127 : i32
      %and3A_279 = vector.broadcast %and3A_278 : i32 to vector<16xi32>
      %and3A_280 = arith.andi %add3A_274, %and3A_279 : vector<16xi32>
      %gather3A_281 = tpu.vector_load_idx %arg5[%shift_right_arithmetic3A_277, %and3A_280] : memref<224x128xi32, #tpu.memory_space<vmem>>[vector<16xi32>, vector<16xi32>], vector<16xi32>,
      %lt3A_282 = arith.constant 507904 : i32
      %lt3A_283 = vector.broadcast %lt3A_282 : i32 to vector<16xi32>
      %lt3A_284 = arith.cmpi slt, %gather3A_281, %lt3A_283 : vector<16xi32>
      %mul3A_285 = arith.constant 2 : i32
      %mul3A_286 = vector.broadcast %mul3A_285 : i32 to vector<16xi32>
      %mul3A_287 = arith.muli %mul3A_286, %gather3A_281 : vector<16xi32>
      %sub3A_288 = arith.constant 499712 : i32
      %sub3A_289 = vector.broadcast %sub3A_288 : i32 to vector<16xi32>
      %sub3A_290 = arith.subi %gather3A_281, %sub3A_289 : vector<16xi32>
      %mul3A_291 = arith.constant 2 : i32
      %mul3A_292 = vector.broadcast %mul3A_291 : i32 to vector<16xi32>
      %mul3A_293 = arith.muli %mul3A_292, %sub3A_290 : vector<16xi32>
      %add3A_294 = arith.constant 1 : i32
      %add3A_295 = vector.broadcast %add3A_294 : i32 to vector<16xi32>
      %add3A_296 = arith.addi %mul3A_293, %add3A_295 : vector<16xi32>
      %select_n3A_297 = arith.select %lt3A_284, %mul3A_287, %add3A_296 : vector<16xi1>, vector<16xi32>
      %swap3A_298 = arith.index_cast %scan3A_115 : i32 to index
      %swap3A_299 = arith.constant 48 : index
      %swap3A_300 = tpu.vector_load %arg6[%swap3A_298, %swap3A_299] {strides = array<i32>} : memref<200x128xi32, #tpu.memory_space<vmem>>, vector<16xi32>,
      tpu.vector_store %arg6[%swap3A_298, %swap3A_299], %select_n3A_297 {strides = array<i32>} : memref<200x128xi32, #tpu.memory_space<vmem>>, vector<16xi32>,
      %add3A_301 = arith.constant 32 : i32
      %add3A_302 = vector.broadcast %add3A_301 : i32 to vector<16xi32>
      %add3A_303 = arith.addi %add3A_302, %shift_right_arithmetic3A_27 : vector<16xi32>
      %add3A_304 = vector.broadcast %add3A_162 : i32 to vector<16xi32>
      %add3A_305 = arith.addi %add3A_304, %add3A_303 : vector<16xi32>
      %mul3A_306 = arith.constant 2048 : i32
      %mul3A_307 = vector.broadcast %mul3A_306 : i32 to vector<16xi32>
      %mul3A_308 = arith.muli %and3A_25, %mul3A_307 : vector<16xi32>
      %add3A_309 = arith.addi %add3A_305, %mul3A_308 : vector<16xi32>
      %shift_right_arithmetic3A_310 = arith.constant 7 : i32
      %shift_right_arithmetic3A_311 = vector.broadcast %shift_right_arithmetic3A_310 : i32 to vector<16xi32>
      %shift_right_arithmetic3A_312 = arith.shrsi %add3A_309, %shift_right_arithmetic3A_311 : vector<16xi32>
      %and3A_313 = arith.constant 127 : i32
      %and3A_314 = vector.broadcast %and3A_313 : i32 to vector<16xi32>
      %and3A_315 = arith.andi %add3A_309, %and3A_314 : vector<16xi32>
      %gather3A_316 = tpu.vector_load_idx %arg5[%shift_right_arithmetic3A_312, %and3A_315] : memref<224x128xi32, #tpu.memory_space<vmem>>[vector<16xi32>, vector<16xi32>], vector<16xi32>,
      %lt3A_317 = arith.constant 507904 : i32
      %lt3A_318 = vector.broadcast %lt3A_317 : i32 to vector<16xi32>
      %lt3A_319 = arith.cmpi slt, %gather3A_316, %lt3A_318 : vector<16xi32>
      %mul3A_320 = arith.constant 2 : i32
      %mul3A_321 = vector.broadcast %mul3A_320 : i32 to vector<16xi32>
      %mul3A_322 = arith.muli %mul3A_321, %gather3A_316 : vector<16xi32>
      %sub3A_323 = arith.constant 499712 : i32
      %sub3A_324 = vector.broadcast %sub3A_323 : i32 to vector<16xi32>
      %sub3A_325 = arith.subi %gather3A_316, %sub3A_324 : vector<16xi32>
      %mul3A_326 = arith.constant 2 : i32
      %mul3A_327 = vector.broadcast %mul3A_326 : i32 to vector<16xi32>
      %mul3A_328 = arith.muli %mul3A_327, %sub3A_325 : vector<16xi32>
      %add3A_329 = arith.constant 1 : i32
      %add3A_330 = vector.broadcast %add3A_329 : i32 to vector<16xi32>
      %add3A_331 = arith.addi %mul3A_328, %add3A_330 : vector<16xi32>
      %select_n3A_332 = arith.select %lt3A_319, %mul3A_322, %add3A_331 : vector<16xi1>, vector<16xi32>
      %swap3A_333 = arith.index_cast %scan3A_115 : i32 to index
      %swap3A_334 = arith.constant 64 : index
      %swap3A_335 = tpu.vector_load %arg6[%swap3A_333, %swap3A_334] {strides = array<i32>} : memref<200x128xi32, #tpu.memory_space<vmem>>, vector<16xi32>,
      tpu.vector_store %arg6[%swap3A_333, %swap3A_334], %select_n3A_332 {strides = array<i32>} : memref<200x128xi32, #tpu.memory_space<vmem>>, vector<16xi32>,
      %add3A_336 = arith.constant 40 : i32
      %add3A_337 = vector.broadcast %add3A_336 : i32 to vector<16xi32>
      %add3A_338 = arith.addi %add3A_337, %shift_right_arithmetic3A_27 : vector<16xi32>
      %add3A_339 = vector.broadcast %add3A_162 : i32 to vector<16xi32>
      %add3A_340 = arith.addi %add3A_339, %add3A_338 : vector<16xi32>
      %mul3A_341 = arith.constant 2048 : i32
      %mul3A_342 = vector.broadcast %mul3A_341 : i32 to vector<16xi32>
      %mul3A_343 = arith.muli %and3A_25, %mul3A_342 : vector<16xi32>
      %add3A_344 = arith.addi %add3A_340, %mul3A_343 : vector<16xi32>
      %shift_right_arithmetic3A_345 = arith.constant 7 : i32
      %shift_right_arithmetic3A_346 = vector.broadcast %shift_right_arithmetic3A_345 : i32 to vector<16xi32>
      %shift_right_arithmetic3A_347 = arith.shrsi %add3A_344, %shift_right_arithmetic3A_346 : vector<16xi32>
      %and3A_348 = arith.constant 127 : i32
      %and3A_349 = vector.broadcast %and3A_348 : i32 to vector<16xi32>
      %and3A_350 = arith.andi %add3A_344, %and3A_349 : vector<16xi32>
      %gather3A_351 = tpu.vector_load_idx %arg5[%shift_right_arithmetic3A_347, %and3A_350] : memref<224x128xi32, #tpu.memory_space<vmem>>[vector<16xi32>, vector<16xi32>], vector<16xi32>,
      %lt3A_352 = arith.constant 507904 : i32
      %lt3A_353 = vector.broadcast %lt3A_352 : i32 to vector<16xi32>
      %lt3A_354 = arith.cmpi slt, %gather3A_351, %lt3A_353 : vector<16xi32>
      %mul3A_355 = arith.constant 2 : i32
      %mul3A_356 = vector.broadcast %mul3A_355 : i32 to vector<16xi32>
      %mul3A_357 = arith.muli %mul3A_356, %gather3A_351 : vector<16xi32>
      %sub3A_358 = arith.constant 499712 : i32
      %sub3A_359 = vector.broadcast %sub3A_358 : i32 to vector<16xi32>
      %sub3A_360 = arith.subi %gather3A_351, %sub3A_359 : vector<16xi32>
      %mul3A_361 = arith.constant 2 : i32
      %mul3A_362 = vector.broadcast %mul3A_361 : i32 to vector<16xi32>
      %mul3A_363 = arith.muli %mul3A_362, %sub3A_360 : vector<16xi32>
      %add3A_364 = arith.constant 1 : i32
      %add3A_365 = vector.broadcast %add3A_364 : i32 to vector<16xi32>
      %add3A_366 = arith.addi %mul3A_363, %add3A_365 : vector<16xi32>
      %select_n3A_367 = arith.select %lt3A_354, %mul3A_357, %add3A_366 : vector<16xi1>, vector<16xi32>
      %swap3A_368 = arith.index_cast %scan3A_115 : i32 to index
      %swap3A_369 = arith.constant 80 : index
      %swap3A_370 = tpu.vector_load %arg6[%swap3A_368, %swap3A_369] {strides = array<i32>} : memref<200x128xi32, #tpu.memory_space<vmem>>, vector<16xi32>,
      tpu.vector_store %arg6[%swap3A_368, %swap3A_369], %select_n3A_367 {strides = array<i32>} : memref<200x128xi32, #tpu.memory_space<vmem>>, vector<16xi32>,
      %add3A_371 = arith.constant 48 : i32
      %add3A_372 = vector.broadcast %add3A_371 : i32 to vector<16xi32>
      %add3A_373 = arith.addi %add3A_372, %shift_right_arithmetic3A_27 : vector<16xi32>
      %add3A_374 = vector.broadcast %add3A_162 : i32 to vector<16xi32>
      %add3A_375 = arith.addi %add3A_374, %add3A_373 : vector<16xi32>
      %mul3A_376 = arith.constant 2048 : i32
      %mul3A_377 = vector.broadcast %mul3A_376 : i32 to vector<16xi32>
      %mul3A_378 = arith.muli %and3A_25, %mul3A_377 : vector<16xi32>
      %add3A_379 = arith.addi %add3A_375, %mul3A_378 : vector<16xi32>
      %shift_right_arithmetic3A_380 = arith.constant 7 : i32
      %shift_right_arithmetic3A_381 = vector.broadcast %shift_right_arithmetic3A_380 : i32 to vector<16xi32>
      %shift_right_arithmetic3A_382 = arith.shrsi %add3A_379, %shift_right_arithmetic3A_381 : vector<16xi32>
      %and3A_383 = arith.constant 127 : i32
      %and3A_384 = vector.broadcast %and3A_383 : i32 to vector<16xi32>
      %and3A_385 = arith.andi %add3A_379, %and3A_384 : vector<16xi32>
      %gather3A_386 = tpu.vector_load_idx %arg5[%shift_right_arithmetic3A_382, %and3A_385] : memref<224x128xi32, #tpu.memory_space<vmem>>[vector<16xi32>, vector<16xi32>], vector<16xi32>,
      %lt3A_387 = arith.constant 507904 : i32
      %lt3A_388 = vector.broadcast %lt3A_387 : i32 to vector<16xi32>
      %lt3A_389 = arith.cmpi slt, %gather3A_386, %lt3A_388 : vector<16xi32>
      %mul3A_390 = arith.constant 2 : i32
      %mul3A_391 = vector.broadcast %mul3A_390 : i32 to vector<16xi32>
      %mul3A_392 = arith.muli %mul3A_391, %gather3A_386 : vector<16xi32>
      %sub3A_393 = arith.constant 499712 : i32
      %sub3A_394 = vector.broadcast %sub3A_393 : i32 to vector<16xi32>
      %sub3A_395 = arith.subi %gather3A_386, %sub3A_394 : vector<16xi32>
      %mul3A_396 = arith.constant 2 : i32
      %mul3A_397 = vector.broadcast %mul3A_396 : i32 to vector<16xi32>
      %mul3A_398 = arith.muli %mul3A_397, %sub3A_395 : vector<16xi32>
      %add3A_399 = arith.constant 1 : i32
      %add3A_400 = vector.broadcast %add3A_399 : i32 to vector<16xi32>
      %add3A_401 = arith.addi %mul3A_398, %add3A_400 : vector<16xi32>
      %select_n3A_402 = arith.select %lt3A_389, %mul3A_392, %add3A_401 : vector<16xi1>, vector<16xi32>
      %swap3A_403 = arith.index_cast %scan3A_115 : i32 to index
      %swap3A_404 = arith.constant 96 : index
      %swap3A_405 = tpu.vector_load %arg6[%swap3A_403, %swap3A_404] {strides = array<i32>} : memref<200x128xi32, #tpu.memory_space<vmem>>, vector<16xi32>,
      tpu.vector_store %arg6[%swap3A_403, %swap3A_404], %select_n3A_402 {strides = array<i32>} : memref<200x128xi32, #tpu.memory_space<vmem>>, vector<16xi32>,
      %add3A_406 = arith.constant 56 : i32
      %add3A_407 = vector.broadcast %add3A_406 : i32 to vector<16xi32>
      %add3A_408 = arith.addi %add3A_407, %shift_right_arithmetic3A_27 : vector<16xi32>
      %add3A_409 = vector.broadcast %add3A_162 : i32 to vector<16xi32>
      %add3A_410 = arith.addi %add3A_409, %add3A_408 : vector<16xi32>
      %mul3A_411 = arith.constant 2048 : i32
      %mul3A_412 = vector.broadcast %mul3A_411 : i32 to vector<16xi32>
      %mul3A_413 = arith.muli %and3A_25, %mul3A_412 : vector<16xi32>
      %add3A_414 = arith.addi %add3A_410, %mul3A_413 : vector<16xi32>
      %shift_right_arithmetic3A_415 = arith.constant 7 : i32
      %shift_right_arithmetic3A_416 = vector.broadcast %shift_right_arithmetic3A_415 : i32 to vector<16xi32>
      %shift_right_arithmetic3A_417 = arith.shrsi %add3A_414, %shift_right_arithmetic3A_416 : vector<16xi32>
      %and3A_418 = arith.constant 127 : i32
      %and3A_419 = vector.broadcast %and3A_418 : i32 to vector<16xi32>
      %and3A_420 = arith.andi %add3A_414, %and3A_419 : vector<16xi32>
      %gather3A_421 = tpu.vector_load_idx %arg5[%shift_right_arithmetic3A_417, %and3A_420] : memref<224x128xi32, #tpu.memory_space<vmem>>[vector<16xi32>, vector<16xi32>], vector<16xi32>,
      %lt3A_422 = arith.constant 507904 : i32
      %lt3A_423 = vector.broadcast %lt3A_422 : i32 to vector<16xi32>
      %lt3A_424 = arith.cmpi slt, %gather3A_421, %lt3A_423 : vector<16xi32>
      %mul3A_425 = arith.constant 2 : i32
      %mul3A_426 = vector.broadcast %mul3A_425 : i32 to vector<16xi32>
      %mul3A_427 = arith.muli %mul3A_426, %gather3A_421 : vector<16xi32>
      %sub3A_428 = arith.constant 499712 : i32
      %sub3A_429 = vector.broadcast %sub3A_428 : i32 to vector<16xi32>
      %sub3A_430 = arith.subi %gather3A_421, %sub3A_429 : vector<16xi32>
      %mul3A_431 = arith.constant 2 : i32
      %mul3A_432 = vector.broadcast %mul3A_431 : i32 to vector<16xi32>
      %mul3A_433 = arith.muli %mul3A_432, %sub3A_430 : vector<16xi32>
      %add3A_434 = arith.constant 1 : i32
      %add3A_435 = vector.broadcast %add3A_434 : i32 to vector<16xi32>
      %add3A_436 = arith.addi %mul3A_433, %add3A_435 : vector<16xi32>
      %select_n3A_437 = arith.select %lt3A_424, %mul3A_427, %add3A_436 : vector<16xi1>, vector<16xi32>
      %swap3A_438 = arith.index_cast %scan3A_115 : i32 to index
      %swap3A_439 = arith.constant 112 : index
      %swap3A_440 = tpu.vector_load %arg6[%swap3A_438, %swap3A_439] {strides = array<i32>} : memref<200x128xi32, #tpu.memory_space<vmem>>, vector<16xi32>,
      tpu.vector_store %arg6[%swap3A_438, %swap3A_439], %select_n3A_437 {strides = array<i32>} : memref<200x128xi32, #tpu.memory_space<vmem>>, vector<16xi32>,
    }
    %scan3A_32 = arith.constant 200 : i32
    %dma_start3A = arith.constant 0 : i32
    %dma_start3A_33 = arith.constant 0 : i32
    %dma_start3A_34 = arith.constant 0 : i32
    %dma_start3A_35 = arith.constant 0 : i32
    %dma_start3A_36 = tpu.memref_slice %arg7[%dma_start3A_33, %dma_start3A_34, %dma_start3A_35] : memref<2x512x64xf32, #tpu.memory_space<vmem>> -> memref<1x128x64xf32, #tpu.memory_space<vmem>>
    %dma_start3A_37 = tpu.memref_squeeze %dma_start3A_36 : memref<1x128x64xf32, #tpu.memory_space<vmem>> -> memref<128x64xf32, #tpu.memory_space<vmem>>
    %dma_start3A_38 = arith.constant 0 : i32
    %dma_start3A_39 = tpu.memref_slice %arg6[%dma_start3A, %dma_start3A_38] : memref<200x128xi32, #tpu.memory_space<vmem>> -> memref<1x128xi32, #tpu.memory_space<vmem>>
    %dma_start3A_40 = tpu.memref_squeeze %dma_start3A_39 : memref<1x128xi32, #tpu.memory_space<vmem>> -> memref<128xi32, #tpu.memory_space<vmem>>
    %dma_start3A_41 = arith.constant 0 : i32
    %dma_start3A_42 = arith.constant 0 : i32
    %dma_start3A_43 = tpu.memref_slice %arg2[%dma_start3A_41, %dma_start3A_42] : memref<1015808x64xf32, #tpu.memory_space<hbm>> -> memref<1015808x64xf32, #tpu.memory_space<hbm>>
    tpu.enqueue_indirect_dma source(%dma_start3A_43 : memref<1015808x64xf32, #tpu.memory_space<hbm>>) target(%dma_start3A_37 : memref<128x64xf32, #tpu.memory_space<vmem>>) offsets(%dma_start3A_40 : memref<128xi32, #tpu.memory_space<vmem>>) semaphore(%arg8 : memref<!tpu.dma_semaphore, #tpu.memory_space<semaphore_mem>>)
    %dma_start3A_44 = arith.constant 1 : i32
    %dma_start3A_45 = arith.constant 0 : i32
    %dma_start3A_46 = arith.constant 128 : i32
    %dma_start3A_47 = arith.constant 0 : i32
    %dma_start3A_48 = tpu.memref_slice %arg7[%dma_start3A_45, %dma_start3A_46, %dma_start3A_47] : memref<2x512x64xf32, #tpu.memory_space<vmem>> -> memref<1x128x64xf32, #tpu.memory_space<vmem>>
    %dma_start3A_49 = tpu.memref_squeeze %dma_start3A_48 : memref<1x128x64xf32, #tpu.memory_space<vmem>> -> memref<128x64xf32, #tpu.memory_space<vmem>>
    %dma_start3A_50 = arith.constant 0 : i32
    %dma_start3A_51 = tpu.memref_slice %arg6[%dma_start3A_44, %dma_start3A_50] : memref<200x128xi32, #tpu.memory_space<vmem>> -> memref<1x128xi32, #tpu.memory_space<vmem>>
    %dma_start3A_52 = tpu.memref_squeeze %dma_start3A_51 : memref<1x128xi32, #tpu.memory_space<vmem>> -> memref<128xi32, #tpu.memory_space<vmem>>
    %dma_start3A_53 = arith.constant 0 : i32
    %dma_start3A_54 = arith.constant 0 : i32
    %dma_start3A_55 = tpu.memref_slice %arg2[%dma_start3A_53, %dma_start3A_54] : memref<1015808x64xf32, #tpu.memory_space<hbm>> -> memref<1015808x64xf32, #tpu.memory_space<hbm>>
    tpu.enqueue_indirect_dma source(%dma_start3A_55 : memref<1015808x64xf32, #tpu.memory_space<hbm>>) target(%dma_start3A_49 : memref<128x64xf32, #tpu.memory_space<vmem>>) offsets(%dma_start3A_52 : memref<128xi32, #tpu.memory_space<vmem>>) semaphore(%arg8 : memref<!tpu.dma_semaphore, #tpu.memory_space<semaphore_mem>>)
    %dma_start3A_56 = arith.constant 2 : i32
    %dma_start3A_57 = arith.constant 0 : i32
    %dma_start3A_58 = arith.constant 256 : i32
    %dma_start3A_59 = arith.constant 0 : i32
    %dma_start3A_60 = tpu.memref_slice %arg7[%dma_start3A_57, %dma_start3A_58, %dma_start3A_59] : memref<2x512x64xf32, #tpu.memory_space<vmem>> -> memref<1x128x64xf32, #tpu.memory_space<vmem>>
    %dma_start3A_61 = tpu.memref_squeeze %dma_start3A_60 : memref<1x128x64xf32, #tpu.memory_space<vmem>> -> memref<128x64xf32, #tpu.memory_space<vmem>>
    %dma_start3A_62 = arith.constant 0 : i32
    %dma_start3A_63 = tpu.memref_slice %arg6[%dma_start3A_56, %dma_start3A_62] : memref<200x128xi32, #tpu.memory_space<vmem>> -> memref<1x128xi32, #tpu.memory_space<vmem>>
    %dma_start3A_64 = tpu.memref_squeeze %dma_start3A_63 : memref<1x128xi32, #tpu.memory_space<vmem>> -> memref<128xi32, #tpu.memory_space<vmem>>
    %dma_start3A_65 = arith.constant 0 : i32
    %dma_start3A_66 = arith.constant 0 : i32
    %dma_start3A_67 = tpu.memref_slice %arg2[%dma_start3A_65, %dma_start3A_66] : memref<1015808x64xf32, #tpu.memory_space<hbm>> -> memref<1015808x64xf32, #tpu.memory_space<hbm>>
    tpu.enqueue_indirect_dma source(%dma_start3A_67 : memref<1015808x64xf32, #tpu.memory_space<hbm>>) target(%dma_start3A_61 : memref<128x64xf32, #tpu.memory_space<vmem>>) offsets(%dma_start3A_64 : memref<128xi32, #tpu.memory_space<vmem>>) semaphore(%arg8 : memref<!tpu.dma_semaphore, #tpu.memory_space<semaphore_mem>>)
    %dma_start3A_68 = arith.constant 3 : i32
    %dma_start3A_69 = arith.constant 0 : i32
    %dma_start3A_70 = arith.constant 384 : i32
    %dma_start3A_71 = arith.constant 0 : i32
    %dma_start3A_72 = tpu.memref_slice %arg7[%dma_start3A_69, %dma_start3A_70, %dma_start3A_71] : memref<2x512x64xf32, #tpu.memory_space<vmem>> -> memref<1x128x64xf32, #tpu.memory_space<vmem>>
    %dma_start3A_73 = tpu.memref_squeeze %dma_start3A_72 : memref<1x128x64xf32, #tpu.memory_space<vmem>> -> memref<128x64xf32, #tpu.memory_space<vmem>>
    %dma_start3A_74 = arith.constant 0 : i32
    %dma_start3A_75 = tpu.memref_slice %arg6[%dma_start3A_68, %dma_start3A_74] : memref<200x128xi32, #tpu.memory_space<vmem>> -> memref<1x128xi32, #tpu.memory_space<vmem>>
    %dma_start3A_76 = tpu.memref_squeeze %dma_start3A_75 : memref<1x128xi32, #tpu.memory_space<vmem>> -> memref<128xi32, #tpu.memory_space<vmem>>
    %dma_start3A_77 = arith.constant 0 : i32
    %dma_start3A_78 = arith.constant 0 : i32
    %dma_start3A_79 = tpu.memref_slice %arg2[%dma_start3A_77, %dma_start3A_78] : memref<1015808x64xf32, #tpu.memory_space<hbm>> -> memref<1015808x64xf32, #tpu.memory_space<hbm>>
    tpu.enqueue_indirect_dma source(%dma_start3A_79 : memref<1015808x64xf32, #tpu.memory_space<hbm>>) target(%dma_start3A_73 : memref<128x64xf32, #tpu.memory_space<vmem>>) offsets(%dma_start3A_76 : memref<128xi32, #tpu.memory_space<vmem>>) semaphore(%arg8 : memref<!tpu.dma_semaphore, #tpu.memory_space<semaphore_mem>>)
    %scan3A_80 = arith.constant 0 : i32
    %scan3A_81 = arith.constant 0 : i32
    %scan3A_82 = arith.constant 50 : i32
    %scan3A_83 = arith.addi %scan3A_81, %scan3A_82 : i32
    %scan3A_84 = arith.constant 1 : i32
    scf.for %scan3A_115 = %scan3A_81 to %scan3A_83 step %scan3A_84  : i32 {
      %rem3A_116 = arith.constant 2 : i32
      %rem3A_117 = arith.remsi %scan3A_115, %rem3A_116 : i32
      %add3A_118 = arith.constant 1 : i32
      %add3A_119 = arith.addi %scan3A_115, %add3A_118 : i32
      %lt3A = arith.constant 50 : i32
      %lt3A_120 = arith.cmpi slt, %add3A_119, %lt3A : i32
      %convert_element_type3A = arith.extui %lt3A_120 : i1 to i32
      %cond3A = arith.constant 0 : i32
      %cond3A_121 = arith.cmpi ne, %convert_element_type3A, %cond3A : i32
      scf.if %cond3A_121 {
        %ge3A = arith.constant 1 : i32
        %ge3A_151 = arith.cmpi sge, %scan3A_115, %ge3A : i32
        %convert_element_type3A_152 = arith.extui %ge3A_151 : i1 to i32
        %cond3A_153 = arith.constant 0 : i32
        %cond3A_154 = arith.cmpi ne, %convert_element_type3A_152, %cond3A_153 : i32
        scf.if %cond3A_154 {
          %sub3A_215 = arith.constant 1 : i32
          %sub3A_216 = arith.subi %sub3A_215, %rem3A_117 : i32
          %dma_wait3A_217 = arith.constant 0 : i32
          %dma_wait3A_218 = arith.constant 0 : i32
          %dma_wait3A_219 = tpu.memref_slice %arg7[%sub3A_216, %dma_wait3A_217, %dma_wait3A_218] : memref<2x512x64xf32, #tpu.memory_space<vmem>> -> memref<1x512x64xf32, #tpu.memory_space<vmem>>
          %dma_wait3A_220 = tpu.memref_squeeze %dma_wait3A_219 : memref<1x512x64xf32, #tpu.memory_space<vmem>> -> memref<512x64xf32, #tpu.memory_space<vmem>>
          %dma_wait3A_221 = arith.constant 0 : i32
          %dma_wait3A_222 = arith.constant 0 : i32
          %dma_wait3A_223 = tpu.memref_slice %arg4[%dma_wait3A_221, %dma_wait3A_222] : memref<819200x64xf32, #tpu.memory_space<hbm>> -> memref<512x64xf32, #tpu.memory_space<hbm>>
          %dma_wait3A_224 = arith.constant 0 : i32
          %dma_wait3A_225 = arith.constant 0 : i32
          %dma_wait3A_226 = tpu.memref_slice %arg7[%sub3A_216, %dma_wait3A_224, %dma_wait3A_225] : memref<2x512x64xf32, #tpu.memory_space<vmem>> -> memref<1x512x64xf32, #tpu.memory_space<vmem>>
          %dma_wait3A_227 = tpu.memref_squeeze %dma_wait3A_226 : memref<1x512x64xf32, #tpu.memory_space<vmem>> -> memref<512x64xf32, #tpu.memory_space<vmem>>
          %dma_wait3A_228 = arith.constant 0 : i32
          %dma_wait3A_229 = arith.constant 0 : i32
          %dma_wait3A_230 = tpu.memref_slice %arg4[%dma_wait3A_228, %dma_wait3A_229] : memref<819200x64xf32, #tpu.memory_space<hbm>> -> memref<512x64xf32, #tpu.memory_space<hbm>>
          tpu.wait_dma2 semaphore(%arg9 : memref<!tpu.dma_semaphore, #tpu.memory_space<semaphore_mem>>) src(%dma_wait3A_230 : memref<512x64xf32, #tpu.memory_space<hbm>>) dst(%dma_wait3A_227 : memref<512x64xf32, #tpu.memory_space<vmem>>)
        } else {
        }
        %add3A_155 = arith.constant 1 : i32
        %add3A_156 = arith.addi %scan3A_115, %add3A_155 : i32
        %sub3A_157 = arith.constant 1 : i32
        %sub3A_158 = arith.subi %sub3A_157, %rem3A_117 : i32
        %mul3A_159 = arith.constant 4 : i32
        %mul3A_160 = arith.muli %add3A_156, %mul3A_159 : i32
        %add3A_161 = arith.constant 0 : i32
        %add3A_162 = arith.addi %mul3A_160, %add3A_161 : i32
        %dma_start3A_163 = arith.constant 0 : i32
        %dma_start3A_164 = arith.constant 0 : i32
        %dma_start3A_165 = tpu.memref_slice %arg7[%sub3A_158, %dma_start3A_163, %dma_start3A_164] : memref<2x512x64xf32, #tpu.memory_space<vmem>> -> memref<1x128x64xf32, #tpu.memory_space<vmem>>
        %dma_start3A_166 = tpu.memref_squeeze %dma_start3A_165 : memref<1x128x64xf32, #tpu.memory_space<vmem>> -> memref<128x64xf32, #tpu.memory_space<vmem>>
        %dma_start3A_167 = arith.constant 0 : i32
        %dma_start3A_168 = tpu.memref_slice %arg6[%add3A_162, %dma_start3A_167] : memref<200x128xi32, #tpu.memory_space<vmem>> -> memref<1x128xi32, #tpu.memory_space<vmem>>
        %dma_start3A_169 = tpu.memref_squeeze %dma_start3A_168 : memref<1x128xi32, #tpu.memory_space<vmem>> -> memref<128xi32, #tpu.memory_space<vmem>>
        %dma_start3A_170 = arith.constant 0 : i32
        %dma_start3A_171 = arith.constant 0 : i32
        %dma_start3A_172 = tpu.memref_slice %arg2[%dma_start3A_170, %dma_start3A_171] : memref<1015808x64xf32, #tpu.memory_space<hbm>> -> memref<1015808x64xf32, #tpu.memory_space<hbm>>
        tpu.enqueue_indirect_dma source(%dma_start3A_172 : memref<1015808x64xf32, #tpu.memory_space<hbm>>) target(%dma_start3A_166 : memref<128x64xf32, #tpu.memory_space<vmem>>) offsets(%dma_start3A_169 : memref<128xi32, #tpu.memory_space<vmem>>) semaphore(%arg8 : memref<!tpu.dma_semaphore, #tpu.memory_space<semaphore_mem>>)
        %mul3A_173 = arith.constant 4 : i32
        %mul3A_174 = arith.muli %add3A_156, %mul3A_173 : i32
        %add3A_175 = arith.constant 1 : i32
        %add3A_176 = arith.addi %mul3A_174, %add3A_175 : i32
        %dma_start3A_177 = arith.constant 128 : i32
        %dma_start3A_178 = arith.constant 0 : i32
        %dma_start3A_179 = tpu.memref_slice %arg7[%sub3A_158, %dma_start3A_177, %dma_start3A_178] : memref<2x512x64xf32, #tpu.memory_space<vmem>> -> memref<1x128x64xf32, #tpu.memory_space<vmem>>
        %dma_start3A_180 = tpu.memref_squeeze %dma_start3A_179 : memref<1x128x64xf32, #tpu.memory_space<vmem>> -> memref<128x64xf32, #tpu.memory_space<vmem>>
        %dma_start3A_181 = arith.constant 0 : i32
        %dma_start3A_182 = tpu.memref_slice %arg6[%add3A_176, %dma_start3A_181] : memref<200x128xi32, #tpu.memory_space<vmem>> -> memref<1x128xi32, #tpu.memory_space<vmem>>
        %dma_start3A_183 = tpu.memref_squeeze %dma_start3A_182 : memref<1x128xi32, #tpu.memory_space<vmem>> -> memref<128xi32, #tpu.memory_space<vmem>>
        %dma_start3A_184 = arith.constant 0 : i32
        %dma_start3A_185 = arith.constant 0 : i32
        %dma_start3A_186 = tpu.memref_slice %arg2[%dma_start3A_184, %dma_start3A_185] : memref<1015808x64xf32, #tpu.memory_space<hbm>> -> memref<1015808x64xf32, #tpu.memory_space<hbm>>
        tpu.enqueue_indirect_dma source(%dma_start3A_186 : memref<1015808x64xf32, #tpu.memory_space<hbm>>) target(%dma_start3A_180 : memref<128x64xf32, #tpu.memory_space<vmem>>) offsets(%dma_start3A_183 : memref<128xi32, #tpu.memory_space<vmem>>) semaphore(%arg8 : memref<!tpu.dma_semaphore, #tpu.memory_space<semaphore_mem>>)
        %mul3A_187 = arith.constant 4 : i32
        %mul3A_188 = arith.muli %add3A_156, %mul3A_187 : i32
        %add3A_189 = arith.constant 2 : i32
        %add3A_190 = arith.addi %mul3A_188, %add3A_189 : i32
        %dma_start3A_191 = arith.constant 256 : i32
        %dma_start3A_192 = arith.constant 0 : i32
        %dma_start3A_193 = tpu.memref_slice %arg7[%sub3A_158, %dma_start3A_191, %dma_start3A_192] : memref<2x512x64xf32, #tpu.memory_space<vmem>> -> memref<1x128x64xf32, #tpu.memory_space<vmem>>
        %dma_start3A_194 = tpu.memref_squeeze %dma_start3A_193 : memref<1x128x64xf32, #tpu.memory_space<vmem>> -> memref<128x64xf32, #tpu.memory_space<vmem>>
        %dma_start3A_195 = arith.constant 0 : i32
        %dma_start3A_196 = tpu.memref_slice %arg6[%add3A_190, %dma_start3A_195] : memref<200x128xi32, #tpu.memory_space<vmem>> -> memref<1x128xi32, #tpu.memory_space<vmem>>
        %dma_start3A_197 = tpu.memref_squeeze %dma_start3A_196 : memref<1x128xi32, #tpu.memory_space<vmem>> -> memref<128xi32, #tpu.memory_space<vmem>>
        %dma_start3A_198 = arith.constant 0 : i32
        %dma_start3A_199 = arith.constant 0 : i32
        %dma_start3A_200 = tpu.memref_slice %arg2[%dma_start3A_198, %dma_start3A_199] : memref<1015808x64xf32, #tpu.memory_space<hbm>> -> memref<1015808x64xf32, #tpu.memory_space<hbm>>
        tpu.enqueue_indirect_dma source(%dma_start3A_200 : memref<1015808x64xf32, #tpu.memory_space<hbm>>) target(%dma_start3A_194 : memref<128x64xf32, #tpu.memory_space<vmem>>) offsets(%dma_start3A_197 : memref<128xi32, #tpu.memory_space<vmem>>) semaphore(%arg8 : memref<!tpu.dma_semaphore, #tpu.memory_space<semaphore_mem>>)
        %mul3A_201 = arith.constant 4 : i32
        %mul3A_202 = arith.muli %add3A_156, %mul3A_201 : i32
        %add3A_203 = arith.constant 3 : i32
        %add3A_204 = arith.addi %mul3A_202, %add3A_203 : i32
        %dma_start3A_205 = arith.constant 384 : i32
        %dma_start3A_206 = arith.constant 0 : i32
        %dma_start3A_207 = tpu.memref_slice %arg7[%sub3A_158, %dma_start3A_205, %dma_start3A_206] : memref<2x512x64xf32, #tpu.memory_space<vmem>> -> memref<1x128x64xf32, #tpu.memory_space<vmem>>
        %dma_start3A_208 = tpu.memref_squeeze %dma_start3A_207 : memref<1x128x64xf32, #tpu.memory_space<vmem>> -> memref<128x64xf32, #tpu.memory_space<vmem>>
        %dma_start3A_209 = arith.constant 0 : i32
        %dma_start3A_210 = tpu.memref_slice %arg6[%add3A_204, %dma_start3A_209] : memref<200x128xi32, #tpu.memory_space<vmem>> -> memref<1x128xi32, #tpu.memory_space<vmem>>
        %dma_start3A_211 = tpu.memref_squeeze %dma_start3A_210 : memref<1x128xi32, #tpu.memory_space<vmem>> -> memref<128xi32, #tpu.memory_space<vmem>>
        %dma_start3A_212 = arith.constant 0 : i32
        %dma_start3A_213 = arith.constant 0 : i32
        %dma_start3A_214 = tpu.memref_slice %arg2[%dma_start3A_212, %dma_start3A_213] : memref<1015808x64xf32, #tpu.memory_space<hbm>> -> memref<1015808x64xf32, #tpu.memory_space<hbm>>
        tpu.enqueue_indirect_dma source(%dma_start3A_214 : memref<1015808x64xf32, #tpu.memory_space<hbm>>) target(%dma_start3A_208 : memref<128x64xf32, #tpu.memory_space<vmem>>) offsets(%dma_start3A_211 : memref<128xi32, #tpu.memory_space<vmem>>) semaphore(%arg8 : memref<!tpu.dma_semaphore, #tpu.memory_space<semaphore_mem>>)
      } else {
      }
      %dma_wait3A_122 = arith.constant 0 : i32
      %dma_wait3A_123 = arith.constant 0 : i32
      %dma_wait3A_124 = tpu.memref_slice %arg7[%rem3A_117, %dma_wait3A_122, %dma_wait3A_123] : memref<2x512x64xf32, #tpu.memory_space<vmem>> -> memref<1x512x64xf32, #tpu.memory_space<vmem>>
      %dma_wait3A_125 = tpu.memref_squeeze %dma_wait3A_124 : memref<1x512x64xf32, #tpu.memory_space<vmem>> -> memref<512x64xf32, #tpu.memory_space<vmem>>
      %dma_wait3A_126 = arith.constant 0 : i32
      %dma_wait3A_127 = arith.constant 0 : i32
      %dma_wait3A_128 = tpu.memref_slice %arg2[%dma_wait3A_126, %dma_wait3A_127] : memref<1015808x64xf32, #tpu.memory_space<hbm>> -> memref<512x64xf32, #tpu.memory_space<hbm>>
      %dma_wait3A_129 = arith.constant 0 : i32
      %dma_wait3A_130 = arith.constant 0 : i32
      %dma_wait3A_131 = tpu.memref_slice %arg7[%rem3A_117, %dma_wait3A_129, %dma_wait3A_130] : memref<2x512x64xf32, #tpu.memory_space<vmem>> -> memref<1x512x64xf32, #tpu.memory_space<vmem>>
      %dma_wait3A_132 = tpu.memref_squeeze %dma_wait3A_131 : memref<1x512x64xf32, #tpu.memory_space<vmem>> -> memref<512x64xf32, #tpu.memory_space<vmem>>
      %dma_wait3A_133 = arith.constant 0 : i32
      %dma_wait3A_134 = arith.constant 0 : i32
      %dma_wait3A_135 = tpu.memref_slice %arg2[%dma_wait3A_133, %dma_wait3A_134] : memref<1015808x64xf32, #tpu.memory_space<hbm>> -> memref<512x64xf32, #tpu.memory_space<hbm>>
      tpu.wait_dma2 semaphore(%arg8 : memref<!tpu.dma_semaphore, #tpu.memory_space<semaphore_mem>>) src(%dma_wait3A_135 : memref<512x64xf32, #tpu.memory_space<hbm>>) dst(%dma_wait3A_132 : memref<512x64xf32, #tpu.memory_space<vmem>>)
      %mul3A_136 = arith.constant 512 : i32
      %mul3A_137 = arith.muli %scan3A_115, %mul3A_136 : i32
      %add3A_138 = arith.addi %mul3A_2, %mul3A_137 : i32
      %dma_start3A_139 = arith.constant 0 : i32
      %dma_start3A_140 = arith.constant 0 : i32
      %dma_start3A_141 = tpu.memref_slice %arg7[%rem3A_117, %dma_start3A_139, %dma_start3A_140] : memref<2x512x64xf32, #tpu.memory_space<vmem>> -> memref<1x512x64xf32, #tpu.memory_space<vmem>>
      %dma_start3A_142 = tpu.memref_squeeze %dma_start3A_141 : memref<1x512x64xf32, #tpu.memory_space<vmem>> -> memref<512x64xf32, #tpu.memory_space<vmem>>
      %dma_start3A_143 = arith.constant 0 : i32
      %dma_start3A_144 = tpu.memref_slice %arg4[%add3A_138, %dma_start3A_143] : memref<819200x64xf32, #tpu.memory_space<hbm>> -> memref<512x64xf32, #tpu.memory_space<hbm>>
      %dma_start3A_145 = arith.constant 0 : i32
      %dma_start3A_146 = tpu.memref_slice %arg4[%add3A_138, %dma_start3A_145] : memref<819200x64xf32, #tpu.memory_space<hbm>> -> memref<512x64xf32, #tpu.memory_space<hbm>>
      %dma_start3A_147 = arith.constant 0 : i32
      %dma_start3A_148 = arith.constant 0 : i32
      %dma_start3A_149 = tpu.memref_slice %arg7[%rem3A_117, %dma_start3A_147, %dma_start3A_148] : memref<2x512x64xf32, #tpu.memory_space<vmem>> -> memref<1x512x64xf32, #tpu.memory_space<vmem>>
      %dma_start3A_150 = tpu.memref_squeeze %dma_start3A_149 : memref<1x512x64xf32, #tpu.memory_space<vmem>> -> memref<512x64xf32, #tpu.memory_space<vmem>>
      tpu.enqueue_dma source(%dma_start3A_150 : memref<512x64xf32, #tpu.memory_space<vmem>>) target(%dma_start3A_146 : memref<512x64xf32, #tpu.memory_space<hbm>>) target_semaphore(%arg9 : memref<!tpu.dma_semaphore, #tpu.memory_space<semaphore_mem>>)
    }
    %scan3A_85 = arith.constant 50 : i32
    %dma_wait3A = arith.constant 0 : i32
    %dma_wait3A_86 = arith.constant 0 : i32
    %dma_wait3A_87 = arith.constant 0 : i32
    %dma_wait3A_88 = tpu.memref_slice %arg7[%dma_wait3A, %dma_wait3A_86, %dma_wait3A_87] : memref<2x512x64xf32, #tpu.memory_space<vmem>> -> memref<1x512x64xf32, #tpu.memory_space<vmem>>
    %dma_wait3A_89 = tpu.memref_squeeze %dma_wait3A_88 : memref<1x512x64xf32, #tpu.memory_space<vmem>> -> memref<512x64xf32, #tpu.memory_space<vmem>>
    %dma_wait3A_90 = arith.constant 0 : i32
    %dma_wait3A_91 = arith.constant 0 : i32
    %dma_wait3A_92 = tpu.memref_slice %arg4[%dma_wait3A_90, %dma_wait3A_91] : memref<819200x64xf32, #tpu.memory_space<hbm>> -> memref<512x64xf32, #tpu.memory_space<hbm>>
    %dma_wait3A_93 = arith.constant 0 : i32
    %dma_wait3A_94 = arith.constant 0 : i32
    %dma_wait3A_95 = tpu.memref_slice %arg7[%dma_wait3A, %dma_wait3A_93, %dma_wait3A_94] : memref<2x512x64xf32, #tpu.memory_space<vmem>> -> memref<1x512x64xf32, #tpu.memory_space<vmem>>
    %dma_wait3A_96 = tpu.memref_squeeze %dma_wait3A_95 : memref<1x512x64xf32, #tpu.memory_space<vmem>> -> memref<512x64xf32, #tpu.memory_space<vmem>>
    %dma_wait3A_97 = arith.constant 0 : i32
    %dma_wait3A_98 = arith.constant 0 : i32
    %dma_wait3A_99 = tpu.memref_slice %arg4[%dma_wait3A_97, %dma_wait3A_98] : memref<819200x64xf32, #tpu.memory_space<hbm>> -> memref<512x64xf32, #tpu.memory_space<hbm>>
    tpu.wait_dma2 semaphore(%arg9 : memref<!tpu.dma_semaphore, #tpu.memory_space<semaphore_mem>>) src(%dma_wait3A_99 : memref<512x64xf32, #tpu.memory_space<hbm>>) dst(%dma_wait3A_96 : memref<512x64xf32, #tpu.memory_space<vmem>>)
    %dma_wait3A_100 = arith.constant 1 : i32
    %dma_wait3A_101 = arith.constant 0 : i32
    %dma_wait3A_102 = arith.constant 0 : i32
    %dma_wait3A_103 = tpu.memref_slice %arg7[%dma_wait3A_100, %dma_wait3A_101, %dma_wait3A_102] : memref<2x512x64xf32, #tpu.memory_space<vmem>> -> memref<1x512x64xf32, #tpu.memory_space<vmem>>
    %dma_wait3A_104 = tpu.memref_squeeze %dma_wait3A_103 : memref<1x512x64xf32, #tpu.memory_space<vmem>> -> memref<512x64xf32, #tpu.memory_space<vmem>>
    %dma_wait3A_105 = arith.constant 0 : i32
    %dma_wait3A_106 = arith.constant 0 : i32
    %dma_wait3A_107 = tpu.memref_slice %arg4[%dma_wait3A_105, %dma_wait3A_106] : memref<819200x64xf32, #tpu.memory_space<hbm>> -> memref<512x64xf32, #tpu.memory_space<hbm>>
    %dma_wait3A_108 = arith.constant 0 : i32
    %dma_wait3A_109 = arith.constant 0 : i32
    %dma_wait3A_110 = tpu.memref_slice %arg7[%dma_wait3A_100, %dma_wait3A_108, %dma_wait3A_109] : memref<2x512x64xf32, #tpu.memory_space<vmem>> -> memref<1x512x64xf32, #tpu.memory_space<vmem>>
    %dma_wait3A_111 = tpu.memref_squeeze %dma_wait3A_110 : memref<1x512x64xf32, #tpu.memory_space<vmem>> -> memref<512x64xf32, #tpu.memory_space<vmem>>
    %dma_wait3A_112 = arith.constant 0 : i32
    %dma_wait3A_113 = arith.constant 0 : i32
    %dma_wait3A_114 = tpu.memref_slice %arg4[%dma_wait3A_112, %dma_wait3A_113] : memref<819200x64xf32, #tpu.memory_space<hbm>> -> memref<512x64xf32, #tpu.memory_space<hbm>>
    tpu.wait_dma2 semaphore(%arg9 : memref<!tpu.dma_semaphore, #tpu.memory_space<semaphore_mem>>) src(%dma_wait3A_114 : memref<512x64xf32, #tpu.memory_space<hbm>>) dst(%dma_wait3A_111 : memref<512x64xf32, #tpu.memory_space<vmem>>)
    return
  }
}

module attributes {stable_mosaic.version = 14 : i64} {
  func.func @body(%arg0: i32, %arg1: memref<64x8192xf32, #tpu.memory_space<vmem>>, %arg2: memref<64x8192xf32, #tpu.memory_space<vmem>>, %arg3: memref<64x64xf32, #tpu.memory_space<vmem>>, %arg4: memref<8192x128xf32, #tpu.memory_space<vmem>>) attributes {dimension_semantics = [#tpu.dimension_semantics<arbitrary>], iteration_bounds = array<i64: 62>, scalar_prefetch = 0 : i64, scratch_operands = 0 : i64, tpu.core_type = #tpu.core_type<tc>, window_params = [{transform_indices = @transform_0, window_bounds = array<i64: 64, 8192>}, {transform_indices = @transform_1, window_bounds = array<i64: 64, 8192>}, {pipeline_mode = #tpu.pipeline_mode<synchronous>, transform_indices = @transform_2, window_bounds = array<i64: 64, 64>}, {transform_indices = @transform_3, window_bounds = array<i64: 8192, 128>}]} {
    %get3A = arith.constant 0 : index
    %get3A_0 = arith.constant 0 : index
    %get3A_1 = vector.load %arg1[%get3A, %get3A_0] : memref<64x8192xf32, #tpu.memory_space<vmem>>, vector<64x8192xf32>
    %get3A_2 = arith.constant 0 : index
    %get3A_3 = arith.constant 0 : index
    %get3A_4 = vector.load %arg3[%get3A_2, %get3A_3] : memref<64x64xf32, #tpu.memory_space<vmem>>, vector<64x64xf32>
    %dot_general3A = arith.constant dense<0.000000e+00> : vector<8192x64xf32>
    %dot_general3A_5 = tpu.matmul %get3A_1, %get3A_4, %dot_general3A {dimension_numbers = #tpu.dot_dimension_numbers<[0], [0], [1], [1], [0, 1, 1, 1], [], []>, transpose_lhs_hint = false} : vector<64x8192xf32>, vector<64x64xf32>, vector<8192x64xf32> -> vector<8192x64xf32>
    %swap3A = arith.constant 0 : index
    %swap3A_6 = arith.constant 0 : index
    %swap3A_7 = vector.load %arg4[%swap3A, %swap3A_6] : memref<8192x128xf32, #tpu.memory_space<vmem>>, vector<8192x64xf32>
    tpu.vector_store %arg4[%swap3A, %swap3A_6], %dot_general3A_5 {strides = array<i32>} : memref<8192x128xf32, #tpu.memory_space<vmem>>, vector<8192x64xf32>,
    %get3A_8 = arith.constant 0 : index
    %get3A_9 = arith.constant 0 : index
    %get3A_10 = vector.load %arg2[%get3A_8, %get3A_9] : memref<64x8192xf32, #tpu.memory_space<vmem>>, vector<64x8192xf32>
    %get3A_11 = arith.constant 0 : index
    %get3A_12 = arith.constant 0 : index
    %get3A_13 = vector.load %arg3[%get3A_11, %get3A_12] : memref<64x64xf32, #tpu.memory_space<vmem>>, vector<64x64xf32>
    %dot_general3A_14 = arith.constant dense<0.000000e+00> : vector<8192x64xf32>
    %dot_general3A_15 = tpu.matmul %get3A_10, %get3A_13, %dot_general3A_14 {dimension_numbers = #tpu.dot_dimension_numbers<[0], [0], [1], [1], [0, 1, 1, 1], [], []>, transpose_lhs_hint = false} : vector<64x8192xf32>, vector<64x64xf32>, vector<8192x64xf32> -> vector<8192x64xf32>
    %swap3A_16 = arith.constant 0 : index
    %swap3A_17 = arith.constant 64 : index
    %swap3A_18 = vector.load %arg4[%swap3A_16, %swap3A_17] : memref<8192x128xf32, #tpu.memory_space<vmem>>, vector<8192x64xf32>
    tpu.vector_store %arg4[%swap3A_16, %swap3A_17], %dot_general3A_15 {strides = array<i32>} : memref<8192x128xf32, #tpu.memory_space<vmem>>, vector<8192x64xf32>,
    return
  }
  func.func @transform_0(%arg0: i32) -> (i32, i32) {
    %c0_i32 = arith.constant 0 : i32
    %c0_i32_0 = arith.constant 0 : i32
    return %c0_i32, %arg0 : i32, i32
  }
  func.func @transform_1(%arg0: i32) -> (i32, i32) {
    %add3A = arith.constant 62 : i32
    %add3A_0 = arith.addi %arg0, %add3A : i32
    %sub3A = arith.constant 1 : i32
    %sub3A_1 = arith.subi %add3A_0, %sub3A : i32
    %c0_i32 = arith.constant 0 : i32
    %c0_i32_2 = arith.constant 0 : i32
    return %c0_i32, %sub3A_1 : i32, i32
  }
  func.func @transform_2(%arg0: i32) -> (i32, i32) {
    %c0_i32 = arith.constant 0 : i32
    %c0_i32_0 = arith.constant 0 : i32
    %c0_i32_1 = arith.constant 0 : i32
    return %c0_i32, %c0_i32_0 : i32, i32
  }
  func.func @transform_3(%arg0: i32) -> (i32, i32) {
    %c0_i32 = arith.constant 0 : i32
    %c0_i32_0 = arith.constant 0 : i32
    return %arg0, %c0_i32 : i32, i32
  }
}

module attributes {stable_mosaic.version = 14 : i64} {
  func.func @body(%arg0: i32, %arg1: memref<2048x128xf32, #tpu.memory_space<vmem>>, %arg2: memref<128x128xf32, #tpu.memory_space<vmem>>, %arg3: memref<128x1xf32, #tpu.memory_space<vmem>>, %arg4: memref<1x64x4096xf32, #tpu.memory_space<vmem>>) attributes {dimension_semantics = [#tpu.dimension_semantics<arbitrary>], iteration_bounds = array<i64: 200>, scalar_prefetch = 0 : i64, scratch_operands = 0 : i64, tpu.core_type = #tpu.core_type<tc>, window_params = [{transform_indices = @transform_0, window_bounds = array<i64: 2048, 128>}, {pipeline_mode = #tpu.pipeline_mode<synchronous>, transform_indices = @transform_1, window_bounds = array<i64: 128, 128>}, {pipeline_mode = #tpu.pipeline_mode<synchronous>, transform_indices = @transform_2, window_bounds = array<i64: 128, 1>}, {transform_indices = @transform_3, window_bounds = array<i64: 1, 64, 4096>}]} {
    %get3A = arith.constant 0 : index
    %get3A_0 = arith.constant 0 : index
    %get3A_1 = vector.load %arg2[%get3A, %get3A_0] : memref<128x128xf32, #tpu.memory_space<vmem>>, vector<128x128xf32>
    %get3A_2 = arith.constant 0 : index
    %get3A_3 = arith.constant 0 : index
    %get3A_4 = vector.load %arg1[%get3A_2, %get3A_3] : memref<2048x128xf32, #tpu.memory_space<vmem>>, vector<2048x128xf32>
    %dot_general3A = arith.constant dense<0.000000e+00> : vector<128x2048xf32>
    %dot_general3A_5 = tpu.matmul %get3A_1, %get3A_4, %dot_general3A {dimension_numbers = #tpu.dot_dimension_numbers<[1], [1], [0], [0], [0, 0, 1, 0], [], []>, transpose_lhs_hint = false} : vector<128x128xf32>, vector<2048x128xf32>, vector<128x2048xf32> -> vector<128x2048xf32>
    %get3A_6 = arith.constant 0 : index
    %get3A_7 = arith.constant 0 : index
    %get3A_8 = vector.load %arg3[%get3A_6, %get3A_7] : memref<128x1xf32, #tpu.memory_space<vmem>>, vector<128x1xf32>
    %add3A = vector.broadcast %get3A_8 : vector<128x1xf32> to vector<128x2048xf32>
    %add3A_9 = arith.addf %dot_general3A_5, %add3A : vector<128x2048xf32>
    %slice3A = vector.extract_strided_slice %add3A_9 {offsets = [0, 0], sizes = [64, 2048], strides = [1, 1]} : vector<128x2048xf32> to vector<64x2048xf32>
    %swap3A = arith.constant 0 : index
    %swap3A_10 = arith.constant 0 : index
    %swap3A_11 = arith.constant 0 : index
    %swap3A_12 = vector.load %arg4[%swap3A, %swap3A_10, %swap3A_11] : memref<1x64x4096xf32, #tpu.memory_space<vmem>>, vector<1x64x2048xf32>
    %swap3A_13 = vector.shape_cast %swap3A_12 : vector<1x64x2048xf32> to vector<64x2048xf32>
    %swap3A_14 = vector.shape_cast %slice3A : vector<64x2048xf32> to vector<1x64x2048xf32>
    tpu.vector_store %arg4[%swap3A, %swap3A_10, %swap3A_11], %swap3A_14 {strides = array<i32>} : memref<1x64x4096xf32, #tpu.memory_space<vmem>>, vector<1x64x2048xf32>,
    %slice3A_15 = vector.extract_strided_slice %add3A_9 {offsets = [64, 0], sizes = [64, 2048], strides = [1, 1]} : vector<128x2048xf32> to vector<64x2048xf32>
    %swap3A_16 = arith.constant 0 : index
    %swap3A_17 = arith.constant 0 : index
    %swap3A_18 = arith.constant 2048 : index
    %swap3A_19 = vector.load %arg4[%swap3A_16, %swap3A_17, %swap3A_18] : memref<1x64x4096xf32, #tpu.memory_space<vmem>>, vector<1x64x2048xf32>
    %swap3A_20 = vector.shape_cast %swap3A_19 : vector<1x64x2048xf32> to vector<64x2048xf32>
    %swap3A_21 = vector.shape_cast %slice3A_15 : vector<64x2048xf32> to vector<1x64x2048xf32>
    tpu.vector_store %arg4[%swap3A_16, %swap3A_17, %swap3A_18], %swap3A_21 {strides = array<i32>} : memref<1x64x4096xf32, #tpu.memory_space<vmem>>, vector<1x64x2048xf32>,
    return
  }
  func.func @transform_0(%arg0: i32) -> (i32, i32) {
    %c0_i32 = arith.constant 0 : i32
    %c0_i32_0 = arith.constant 0 : i32
    return %arg0, %c0_i32 : i32, i32
  }
  func.func @transform_1(%arg0: i32) -> (i32, i32) {
    %c0_i32 = arith.constant 0 : i32
    %c0_i32_0 = arith.constant 0 : i32
    %c0_i32_1 = arith.constant 0 : i32
    return %c0_i32, %c0_i32_0 : i32, i32
  }
  func.func @transform_2(%arg0: i32) -> (i32, i32) {
    %c0_i32 = arith.constant 0 : i32
    %c0_i32_0 = arith.constant 0 : i32
    %c0_i32_1 = arith.constant 0 : i32
    return %c0_i32, %c0_i32_0 : i32, i32
  }
  func.func @transform_3(%arg0: i32) -> (i32, i32, i32) {
    %c0_i32 = arith.constant 0 : i32
    %c0_i32_0 = arith.constant 0 : i32
    %c0_i32_1 = arith.constant 0 : i32
    return %arg0, %c0_i32, %c0_i32_0 : i32, i32, i32
  }
}

</mosaic_0001>

<sc_bundles>
// kernel: kernel.5.cloned.1.call-start
scs
__scs_entry_jumppad:
0x0: {  	(pc) =	sbr.rel $0x88, $3  }
0x1: {  	(tag) =	ssettag $0x0;
	lr =	simm.s32 $0x1  }
0x2: {  	[smem:$0x3F9D] =	sst lr;
	_ =	strace $0xD0000000  }
0x3: {  	_ = 	snop  }
0x4: {  	_ = 	snop  }
0x5: {  	_ = 	snop  }
0x6: {  	_ = 	snop  }
0x7: {  	_ = 	snop  }
__scs_overlays_trampoline_lowered:
0x8: {  	[smem:$0x3FAC] =	sst s0  }
0x9: {  	[smem:$0x3FAD] =	sst s1  }
0xa: {  	[smem:$0x3FAE] =	sst s2  }
0xb: {  	[smem:$0x3FAF] =	sst s3  }
0xc: {  	[smem:$0x3FB0] =	sst s4  }
0xd: {  	[smem:$0x3FB1] =	sst s5  }
0xe: {  	[smem:$0x3FB2] =	sst s6  }
0xf: {  	[smem:$0x3FB3] =	sst s7  }
0x10: {  	[smem:$0x3FB4] =	sst s8  }
0x11: {  	[smem:$0x3FB5] =	sst s9;
	s0 =	simm.s32 @!p0 $0x0  }
0x12: {  	s1 =	sld [smem:$0x3F9B];
	s0 =	simm.s32 @p0 $0x1  }
0x13: {  	[smem:$0x3FB6] =	sst s0;
	s0 =	simm.s32 @!p1 $0x0  }
0x14: {  	s2 =	sld [smem:$0x3F9A];
	s0 =	simm.s32 @p1 $0x1  }
0x15: {  	[smem:$0x3FB7] =	sst s0;
	s0 =	simm.s32 @!p2 $0x0  }
0x16: {  	s3 =	sld [smem:$0x3FDB];
	s0 =	simm.s32 @p2 $0x1  }
0x17: {  	s4 =	simm.s32 $0x1BF5;
	[smem:$0x3FB9] =	sst s0  }
0x18: {  	s0 =	sld [smem:$0x3F9C];
	_ =	swait.ge [sflag:s4], $0x0  }
0x19: {  	s7 =	sld [smem:$0x3F9D]  }
0x1a: {  	s8 =	sadd.s32 $0xFFFFE003, lr  }
0x1b: {  	s9 =	sadd.s32 $0xFFFFFEF7, lr;
	s5 =	simm.s32 $0xFFFFFFFF;
	p2 =	slt.u32 s8, $0xFFFFF086  }
0x1c: {  	p1 =	slt.u32 s9, $0xF7A;
	s5 =	simm.s32 @!p2 $0x0  }
0x1d: {  	s5 =	simm.s32 @p1 $0x1;
	p0 =	seq.s32 s7, s2  }
0x1e: {  	s7 =	smul.u32 @!p0 $0xF7A, s2;
	p2 =	seq.s32 @!p0 s5, $0x0  }
0x1f: {  	s9 =	smul.u32 $0xF7A, s1;
	s8 =	simm.s32 @!p0 $0x1BF5;
	p2 =	por !p2, p0  }
0x20: {  	[sflag:s8] =	ssyncset.s32 @!p0 $0xFFFFF086;
	s6 =	sadd.s32 @!p0 s3, s7;
	s7 =	simm.s32 @!p0 $0x108  }
0x21: {  	s3 =	sadd.s32 s3, s9;
	s6 =	sadd.s32 @!p0 $0x88, s6;
	s7 =	simm.s32 @p2 $0x1082  }
0x22: {  	[simem:s7], [sflag:s8] =	dma.local @!p0 [hbm:s6], $0xF7A  }
0x23: {  	s9 =	sor.u32 $0xD0000000, s2;
	s6 =	simm.s32 $0x108;
	_ =	swait.ge @!p0 [sflag:s8], $0x0  }
0x24: {  	s3 =	sadd.s32 $0x88, s3;
	s6 =	simm.s32 @!p1 $0x1082;
	[sflag:s4] =	ssyncset.s32 $0xFFFFF086  }
0x25: {  	[simem:s6], [sflag:s4] =	dma.local [hbm:s3], $0xF7A  }
0x26: {  	[smem:$0x3F9D] =	sst s1;
	(tag) =	ssettag s2;
	_ =	strace s9  }
0x27: {  	s1 =	sld [smem:$0x3FAD]  }
0x28: {  	s2 =	sld [smem:$0x3FAE]  }
0x29: {  	s4 =	sld [smem:$0x3FB0]  }
0x2a: {  	p0 =	seq.s32 s5, $0x0;
	s5 =	sld [smem:$0x3FB1]  }
0x2b: {  	s6 =	sld [smem:$0x3FB2]  }
0x2c: {  	s7 =	sld [smem:$0x3FB3]  }
0x2d: {  	s3 =	simm.s32 $0x108;
	s8 =	sld [smem:$0x3FB4]  }
0x2e: {  	s3 =	simm.s32 @!p0 $0x1082;
	s9 =	sld [smem:$0x3FB5]  }
0x2f: {  	lr =	sadd.s32 s0, s3;
	s0 =	sld [smem:$0x3FAC]  }
0x30: {  	s3 =	sld [smem:$0x3FAF]  }
0x31: {  	[smem:$0x3FB8] =	sst s10  }
0x32: {  	s10 =	sld [smem:$0x3FB6];
	_ =	sdelay $0x3  }
0x33: {  	p0 =	seq.s32 s10, $0x1;
	s10 =	sld [smem:$0x3FB8];
	_ =	sdelay $0x3  }
0x34: {  	[smem:$0x3FB8] =	sst s10  }
0x35: {  	s10 =	sld [smem:$0x3FB7];
	_ =	sdelay $0x3  }
0x36: {  	p1 =	seq.s32 s10, $0x1;
	s10 =	sld [smem:$0x3FB8];
	_ =	sdelay $0x3  }
0x37: {  	[smem:$0x3FB8] =	sst s10  }
0x38: {  	s10 =	sld [smem:$0x3FB9]  }
0x39: {  	_ = 	snop;
	(pc) =	sbr.ind lr, $3  }
0x3a: {  	_ = 	snop  }
0x3b: {  	_ = 	snop  }
0x3c: {  	p2 =	seq.s32 s10, $0x1;
	s10 =	sld [smem:$0x3FB8]  }
0x3d: {  	_ =	shalt  }
0x3e: {  	_ =	shalt  }
0x3f: {  	_ =	shalt  }
0x40: {  	_ =	shalt  }
0x41: {  	_ =	shalt  }
0x42: {  	_ =	shalt  }
0x43: {  	_ =	shalt  }
0x44: {  	_ =	shalt  }
0x45: {  	_ =	shalt  }
0x46: {  	_ =	shalt  }
0x47: {  	_ =	shalt  }
0x48: {  	_ =	shalt  }
0x49: {  	_ =	shalt  }
0x4a: {  	_ =	shalt  }
0x4b: {  	_ =	shalt  }
0x4c: {  	_ =	shalt  }
0x4d: {  	_ =	shalt  }
0x4e: {  	_ =	shalt  }
0x4f: {  	_ =	shalt  }
0x50: {  	_ =	shalt  }
0x51: {  	_ =	shalt  }
0x52: {  	_ =	shalt  }
0x53: {  	_ =	shalt  }
0x54: {  	_ =	shalt  }
0x55: {  	_ =	shalt  }
0x56: {  	_ =	shalt  }
0x57: {  	_ =	shalt  }
0x58: {  	_ =	shalt  }
0x59: {  	_ =	shalt  }
0x5a: {  	_ =	shalt  }
0x5b: {  	_ =	shalt  }
0x5c: {  	_ =	shalt  }
0x5d: {  	_ =	shalt  }
0x5e: {  	_ =	shalt  }
0x5f: {  	_ =	shalt  }
0x60: {  	_ =	shalt  }
0x61: {  	_ =	shalt  }
0x62: {  	_ =	shalt  }
0x63: {  	_ =	shalt  }
0x64: {  	_ =	shalt  }
0x65: {  	_ =	shalt  }
0x66: {  	_ =	shalt  }
0x67: {  	_ =	shalt  }
0x68: {  	_ =	shalt  }
0x69: {  	_ =	shalt  }
0x6a: {  	_ =	shalt  }
0x6b: {  	_ =	shalt  }
0x6c: {  	_ =	shalt  }
0x6d: {  	_ =	shalt  }
0x6e: {  	_ =	shalt  }
0x6f: {  	_ =	shalt  }
0x70: {  	_ =	shalt  }
0x71: {  	_ =	shalt  }
0x72: {  	_ =	shalt  }
0x73: {  	_ =	shalt  }
0x74: {  	_ =	shalt  }
0x75: {  	_ =	shalt  }
0x76: {  	_ =	shalt  }
0x77: {  	_ =	shalt  }
0x78: {  	_ =	shalt  }
0x79: {  	_ =	shalt  }
0x7a: {  	_ =	shalt  }
0x7b: {  	_ =	shalt  }
0x7c: {  	_ =	shalt  }
0x7d: {  	_ =	shalt  }
0x7e: {  	_ =	shalt  }
0x7f: {  	_ =	shalt  }
0x80: {  	_ =	shalt  }
0x81: {  	_ =	shalt  }
0x82: {  	_ =	shalt  }
0x83: {  	_ =	shalt  }
0x84: {  	_ =	shalt  }
0x85: {  	_ =	shalt  }
0x86: {  	_ =	shalt  }
0x87: {  	_ =	shalt  }
.Lfunc_end0:
.L_simem_size_0:
called_computation_lowered:
.L_overlay_start_0:
0x88: {  	s2 =	sld [smem:$0x3FD9]  }
0x89: {  	s3 =	sld [smem:$0x3FFE];
	_ =	sdelay $0x1  }
0x8a: {  	s1 =	srdreg.scid  }
0x8b: {  	s0 =	sand.u32 $0x1, s1  }
0x8c: {  	s17 =	sshll.u32 s0, $0xA;
	s2 =	sadd.s32 s3, s2  }
0x8d: {  	s2 =	sadd.s32 s2, s17  }
0x8e: {  	[smem:$0x3FC4] =	sst s2  }
0x8f: {  	_ = 	snop  }
0x90: {  	s2 =	sld [smem:$0x3FD0];
	(tm) =	ssettm $0x1  }
0x91: {  	s18 =	sld [smem:$0x3FFB];
	_ =	sdelay $0x3  }
0x92: {  	_ =	strace s18  }
0x93: {  	s3 =	sld [smem:$0x3FFC];
	_ =	sdelay $0x3  }
0x94: {  	_ =	strace s3  }
0x95: {  	s3 =	sld [smem:$0x3FFD];
	_ =	sdelay $0x3  }
0x96: {  	_ =	strace s3  }
0x97: {  	_ =	strace $0x8FFFFFFF  }
0x98: {  	s19 =	sld [smem:$0x3FDB];
	_ =	sdelay $0x1  }
0x99: {  	s4 =	simm.s32 $_scs_section_size  }
0x9a: {  	s5 =	simm.s32 $_size__tile_overlayer_lowered;
	s6 =	simm.s32 $_tile_overlayer_lowered  }
0x9b: {  	s22 =	simm.s32 $0x1BFF;
	s21 =	sshll.u32 s6, $0x1;
	s3 =	sadd.s32 s4, s19  }
0x9c: {  	s7 =	simm.s32 $0x0;
	s20 =	sshll.u32 s5, $0x1;
	s5 =	sadd.s32 s21, s3  }
0x9d: {  	[timem:s7], [sflag:s22] =	dma.local [hbm:s5], s20  }
0x9e: {  	_ =	swait.ge [sflag:s22], s20  }
0x9f: {  	s4 =	ssub.s32 $0x0, s20;
	[sflag:s22] =	ssyncset.done $0x0  }
0xa0: {  	[sflag:s22] =	ssyncadd.s32 s4;
	_ =	sdelay $0x1  }
0xa1: {  	s23 =	simm.s32 $0x1B8B  }
0xa2: {  	_ =	swait.ge [sflag:s23], $0x1  }
0xa3: {  	[sflag:s23] =	ssyncset.done $0x0  }
0xa4: {  	s25 =	simm.s32 $0x1B8E;
	s24 =	sld [smem:$0x3FFE];
	[sflag:s23] =	ssyncadd.s32 $0xFFFFFFFF  }
0xa5: {  	s26 =	simm.s32 $execute0_lowered;
	[smem:$0x3FD2] =	sst s25  }
0xa6: {  	s5 =	sshll.u32 s26, $0x1;
	_ =	strace $0x80000046;
	[dreg:$0x1] =	wrdreg $0xFFFFFFFF  }
0xa7: {  	s28 =	simm.s32 $_size_execute0_lowered;
	s3 =	sadd.s32 s3, s5;
	[dreg:$0x0] =	wrdreg $0x0  }
0xa8: {  	s5 =	sshll.u32 s28, $0x1;
	[dreg:$0x2] =	wrdreg s3  }
0xa9: {  	[dreg:$0x3] =	wrdreg s5  }
0xaa: {  	[dreg:$0x4] =	wrdreg $0xC0  }
0xab: {  	_ =	task [dreg:s7], $0x5FFFF  }
0xac: {  	[dreg:$0x1] =	wrdreg $0xFFFFFFFF  }
0xad: {  	[dreg:$0x0] =	wrdreg $0x60  }
0xae: {  	[dreg:$0x2] =	wrdreg s24  }
0xaf: {  	[dreg:$0x3] =	wrdreg s2  }
0xb0: {  	[dreg:$0x4] =	wrdreg $0x9  }
0xb1: {  	_ =	task.clear_ibuf [dreg:s7], $0x5FFFF;
	_ =	strace $0x90000046  }
0xb2: {  	s29 =	simm.s32 $0x9;
	_ =	strace $0x80000048  }
0xb3: {  	_ =	swait.ge [sflag:s29], $0x1  }
0xb4: {  	[sflag:s29] =	ssyncadd.s32 $0xFFFFFFFF  }
0xb5: {  	_ =	strace $0x90000048  }
0xb6: {  	_ =	sfence  }
0xb7: {  	s30 =	sld [smem:$0x0];
	_ =	sdelay $0x2  }
0xb8: {  	s31 =	sshll.u32 s1, $0xD;
	s1 =	sshrl.u32 s1, $0x2  }
0xb9: {  	s3 =	sand.u32 $0x4000, s31;
	s1 =	sadd.s32 s1, s30  }
0xba: {  	s0 =	sor.u32 s3, s0;
	s1 =	sshll.u32 s1, $0x11  }
0xbb: {  	s0 =	sor.u32 s1, s0  }
0xbc: {  	s0 =	sadd.s32 $0x8F2B, s0  }
0xbd: {  	[sflag:s0] =	ssyncadd.remote.s32 $0x1  }
0xbe: {  	_ =	sfence.sel $0xFFFF  }
0xbf: {  	[dreg:$0x0] =	wrdreg $0xFFFFFFFF;
	(pc) =	sbr.abs _section_cstart, $3  }
0xc0: {  	[dreg:$0x1] =	wrdreg $0xFFFFFFFF  }
0xc1: {  	_ =	task.clear_ibuf [dreg:s7], $0x2FFFF;
	_ =	strace $0x9FFFFFFF  }
0xc2: {  	(tm) =	ssettm $0x7FFFFFFF  }
0xc3: {  	_ =	shalt  }
tec
execute0_lowered:
.L_overlay_start_1:
0x0: {  	(tag) =	ssettag $0x1  }
0x1: {  	v0 =	vimm.s32 $0x80F;
	vm14 =	vcmask $0x300  }
0x2: {  	vm13 =	vcmask $0x704;
	vm12 =	vcmask $0xB08;
	vm11 =	vcmask $0xF0C  }
0x3: {  	vm10 =	vcmask $0x1310;
	vm9 =	vcmask $0x1714;
	vm8 =	vcmask $0x1B18  }
0x4: {  	vm7 =	vcmask $0x1F1C;
	vm6 =	vcmask $0x2320;
	vm5 =	vcmask $0x2724  }
0x5: {  	vm4 =	vcmask $0x2B28;
	vm3 =	vcmask $0x2F2C;
	vm2 =	vcmask $0x3330  }
0x6: {  	v1 =	vlaneseq.u32;
	vm1 =	vcmask $0x3734;
	vm0 =	vcmask $0x3B38  }
0x7: {  	v4 =	vimm.s32 $0x81F;
	v5 =	vimm.s32 $0x827;
	v6 =	vimm.s32 $0x82F  }
0x8: {  	v7 =	vimm.s32 $0x837;
	v8 =	vimm.s32 $0x83F;
	v0 =	vsel vm14, $0x8, v0  }
0x9: {  	v2 =	vand.u32 $0x1, v1;
	v1 =	vshrl.u32 v1, $0x1;
	v4 =	vsel vm14, $0x18, v4  }
0xa: {  	v5 =	vsel vm14, $0x20, v5;
	v6 =	vsel vm14, $0x28, v6;
	v7 =	vsel vm14, $0x30, v7  }
0xb: {  	v8 =	vsel vm14, $0x38, v8;
	v0 =	vsel vm13, $0x808, v0;
	v4 =	vsel vm13, $0x818, v4  }
0xc: {  	v5 =	vsel vm13, $0x820, v5;
	v6 =	vsel vm13, $0x828, v6;
	v7 =	vsel vm13, $0x830, v7  }
0xd: {  	v8 =	vsel vm13, $0x838, v8;
	v0 =	vsel vm12, $0x9, v0;
	v4 =	vsel vm12, $0x19, v4  }
0xe: {  	v5 =	vsel vm12, $0x21, v5;
	v6 =	vsel vm12, $0x29, v6;
	v7 =	vsel vm12, $0x31, v7  }
0xf: {  	v8 =	vsel vm12, $0x39, v8;
	v0 =	vsel vm11, $0x809, v0;
	v4 =	vsel vm11, $0x819, v4  }
0x10: {  	v5 =	vsel vm11, $0x821, v5;
	v6 =	vsel vm11, $0x829, v6;
	v7 =	vsel vm11, $0x831, v7  }
0x11: {  	v8 =	vsel vm11, $0x839, v8;
	v0 =	vsel vm10, $0xA, v0;
	v4 =	vsel vm10, $0x1A, v4  }
0x12: {  	v5 =	vsel vm10, $0x22, v5;
	v6 =	vsel vm10, $0x2A, v6;
	v7 =	vsel vm10, $0x32, v7  }
0x13: {  	v8 =	vsel vm10, $0x3A, v8;
	v0 =	vsel vm9, $0x80A, v0;
	v4 =	vsel vm9, $0x81A, v4  }
0x14: {  	v5 =	vsel vm9, $0x822, v5;
	v6 =	vsel vm9, $0x82A, v6;
	v7 =	vsel vm9, $0x832, v7  }
0x15: {  	v8 =	vsel vm9, $0x83A, v8;
	v0 =	vsel vm8, $0xB, v0;
	v4 =	vsel vm8, $0x1B, v4  }
0x16: {  	v5 =	vsel vm8, $0x23, v5;
	v6 =	vsel vm8, $0x2B, v6;
	v0 =	vsel vm7, $0x80B, v0  }
0x17: {  	v7 =	vsel vm8, $0x33, v7;
	v8 =	vsel vm8, $0x3B, v8;
	v0 =	vsel vm6, $0xC, v0  }
0x18: {  	v4 =	vsel vm7, $0x81B, v4;
	v5 =	vsel vm7, $0x823, v5;
	v0 =	vsel vm5, $0x80C, v0  }
0x19: {  	v6 =	vsel vm7, $0x82B, v6;
	v7 =	vsel vm7, $0x833, v7;
	v0 =	vsel vm4, $0xD, v0  }
0x1a: {  	v8 =	vsel vm7, $0x83B, v8;
	v4 =	vsel vm6, $0x1C, v4;
	v0 =	vsel vm3, $0x80D, v0  }
0x1b: {  	s4 =	rddreg [dreg:$0x0];
	v5 =	vsel vm6, $0x24, v5;
	v6 =	vsel vm6, $0x2C, v6;
	v0 =	vsel vm2, $0xE, v0  }
0x1c: {  	s5 =	rddreg [dreg:$0x1];
	v7 =	vsel vm6, $0x34, v7;
	v8 =	vsel vm6, $0x3C, v8;
	v3 =	vsel vm1, $0x80E, v0  }
0x1d: {  	s0 =	rddreg [dreg:$0x2];
	v0 =	vmul.u32 $0x800, v2;
	v2 =	vsel vm0, $0xF, v3;
	v3 =	vimm.s32 $0x817  }
0x1e: {  	s3 =	srdreg.scid;
	s1 =	stileid.u32;
	v4 =	vsel vm5, $0x81C, v4;
	v5 =	vsel vm5, $0x824, v5;
	v3 =	vsel vm14, $0x10, v3  }
0x1f: {  	s2 =	simm.s32 $0x0;
	s14 =	simm.s32 $0x7080;
	s15 =	simm.s32 $0xF400;
	v6 =	vsel vm5, $0x82C, v6;
	v7 =	vsel vm5, $0x834, v7;
	v3 =	vsel vm13, $0x810, v3  }
0x20: {  	s16 =	simm.s32 $0x7100;
	s17 =	simm.s32 $0x11400;
	s18 =	simm.s32 $0x7180;
	v8 =	vsel vm5, $0x83C, v8;
	v4 =	vsel vm4, $0x1D, v4;
	v3 =	vsel vm12, $0x11, v3  }
0x21: {  	s19 =	simm.s32 $0x13400;
	s20 =	simm.s32 $0x1;
	s7 =	smul.u32 $0x320000, s1;
	v5 =	vsel vm4, $0x25, v5;
	v6 =	vsel vm4, $0x2D, v6;
	v3 =	vsel vm11, $0x811, v3  }
0x22: {  	s21 =	simm.s32 $0x2;
	s22 =	simm.s32 $0x0;
	s10 =	smul.u32 $0x6400, s1;
	v7 =	vsel vm4, $0x35, v7;
	v8 =	vsel vm4, $0x3D, v8;
	v3 =	vsel vm10, $0x12, v3  }
0x23: {  	s6 =	sand.u32 $0x1, s3;
	[smem:$0x7FF] =	sst s2;
	s13 =	smul.u32 $0x190, s1;
	v4 =	vsel vm3, $0x81D, v4;
	v5 =	vsel vm3, $0x825, v5;
	v3 =	vsel vm9, $0x812, v3  }
0x24: {  	s24 =	sshll.u32 s1, $0x1;
	s3 =	sadd.s32 $0x800, s4;
	s8 =	smul.u32 $0x190000, s6;
	v6 =	vsel vm3, $0x82D, v6;
	v7 =	vsel vm3, $0x835, v7;
	v3 =	vsel vm8, $0x13, v3  }
0x25: {  	_ =	strace $0x80000047;
	s26 =	ssub.s32 $0x2, s6;
	s29 =	smul.u32 $0x3200, s6;
	v8 =	vsel vm3, $0x83D, v8;
	v4 =	vsel vm2, $0x1E, v4;
	v3 =	vsel vm7, $0x813, v3  }
0x26: {  	s9 =	sor.u32 s6, s24;
	s31 =	smul.u32 $0xC8, s6;
	s28 =	sshrl.u32 s26, $0x1;
	v5 =	vsel vm2, $0x26, v5;
	v6 =	vsel vm2, $0x2E, v6;
	v3 =	vsel vm6, $0x14, v3  }
0x27: {  	s25 =	smul.u32 $0xC8, s9;
	s7 =	sadd.s32 s8, s7;
	s9 =	ssub.s32 s26, s28;
	v7 =	vsel vm2, $0x36, v7;
	v8 =	vsel vm2, $0x3E, v8;
	v3 =	vsel vm5, $0x814, v3  }
.Ltmp0:
0x28: {  	s8 =	sadd.s32 s31, s13;
	s13 =	simm.s32 $0xD400;
	v4 =	vsel vm1, $0x81E, v4;
	v5 =	vsel vm1, $0x826, v5;
	v3 =	vsel vm4, $0x15, v3;
	(pc) =	sbr.rel .LBB2_1-.Ltmp0, $4  }
0x29: {  	s7 =	sshrl.u32 s7, $0x3;
	s12 =	sshll.u32 s25, $0x4;
	s6 =	smax.u32 s9, $0x1;
	v6 =	vsel vm1, $0x82E, v6;
	v7 =	vsel vm1, $0x836, v7;
	v3 =	vsel vm3, $0x815, v3  }
0x2a: {  	s11 =	sadd.s32 s7, s4;
	s4 =	sshrl.u32 s25, $0x5;
	s30 =	sand.u32 $0x1FE00, s12;
	v8 =	vsel vm1, $0x83E, v8;
	v4 =	vsel vm0, $0x1F, v4;
	v3 =	vsel vm2, $0x16, v3  }
0x2b: {  	s7 =	sadd.s32 s29, s10;
	s10 =	simm.s32 $0x3;
	s12 =	simm.s32 $0x7000;
	v5 =	vsel vm0, $0x27, v5;
	v6 =	vsel vm0, $0x2F, v6;
	v3 =	vsel vm1, $0x816, v3  }
0x2c: {  	s5 =	sadd.s32 s5, s30;
	s9 =	sadd.s32 $0x7C0800, s11;
	s11 =	simm.s32 $0x80;
	v7 =	vsel vm0, $0x37, v7;
	v8 =	vsel vm0, $0x3F, v8;
	v3 =	vsel vm0, $0x17, v3  }
.LBB2_9:
0x2d: {  	s22 =	sadd.s32 $0x1, s22  }
0x2e: {  	_ =	swait.ge [sflag:s21], $0x8000;
	p0 =	sne.s32 s22, s6  }
.Ltmp1:
0x2f: {  	[sflag:s21] =	ssyncset.done $0x0;
	(pc) =	sbr.rel @!p0 .LBB2_10-.Ltmp1, $4  }
0x30: {  	[sflag:s21] =	ssyncadd.s32 $0xFFFF8000  }
0x31: {  	_ =	swait.ge [sflag:s21], $0x8000  }
0x32: {  	[sflag:s21] =	ssyncset.done $0x0  }
0x33: {  	[sflag:s21] =	ssyncadd.s32 $0xFFFF8000  }
.LBB2_1:
0x34: {  	s23 =	sadd.s32 $0x0, s8  }
0x35: {  	s23 =	sshrl.u32 s23, $0x5  }
0x36: {  	s23 =	ssub.s32 s23, s4  }
0x37: {  	s24 =	sand.u32 $0x7C0, s7;
	s23 =	sshll.u32 s23, $0xC  }
0x38: {  	s24 =	sor.u32 s24, s23  }
0x39: {  	v9 =	vor.u32 s24, v0  }
0x3a: {  	v9 =	vor.u32 v1, v9  }
0x3b: {  	[tilespmem:s2], [sflag:$0x3] =	stream.linear.gather [hbm4b:s5+s2], $0x7000, $0x38;
	[tilespmem:$0x1D400] =	vst v63  }
0x3c: {  	_ =	swait.ge [sflag:s10], $0x7000  }
0x3d: {  	[sflag:s10] =	ssyncset.done $0x0  }
0x3e: {  	[sflag:s10] =	ssyncadd.s32 $0xFFFF9000  }
0x3f: {  	v9 =	vld.idx.msk [tilespmem:v9+s2+$0x0], $0xffff;
	_ =	sdelay $0x3  }
0x40: {  	v10 =	vor.u32 s24, v2  }
0x41: {  	v11 =	vshll.u32 v9, $0x1  }
0x42: {  	vm0 =	vlt.s32 v9, $0x7C000;
	v9 =	vadd.s32 $0xFFF0C001, v11  }
0x43: {  	s23 =	simm.s32 $0x7040;
	v9 =	vsel vm0, v11, v9  }
0x44: {  	[tilespmem:s23+$0xFFFFFFC0] =	vst v9  }
0x45: {  	v9 =	vld.idx.msk [tilespmem:v10+s2+$0x0], $0xffff;
	_ =	sdelay $0x3  }
0x46: {  	v10 =	vor.u32 s24, v3  }
0x47: {  	v11 =	vshll.u32 v9, $0x1  }
0x48: {  	vm10 =	vlt.s32 v9, $0x7C000;
	v9 =	vadd.s32 $0xFFF0C001, v11  }
0x49: {  	v9 =	vsel vm10, v11, v9  }
0x4a: {  	[tilespmem:s23+$0xFFFFFFD0] =	vst v9  }
0x4b: {  	v9 =	vld.idx.msk [tilespmem:v10+s2+$0x0], $0xffff;
	_ =	sdelay $0x3  }
0x4c: {  	v10 =	vor.u32 s24, v4  }
0x4d: {  	v11 =	vshll.u32 v9, $0x1  }
0x4e: {  	vm11 =	vlt.s32 v9, $0x7C000;
	v9 =	vadd.s32 $0xFFF0C001, v11  }
0x4f: {  	v9 =	vsel vm11, v11, v9  }
0x50: {  	[tilespmem:s23+$0xFFFFFFE0] =	vst v9  }
0x51: {  	v9 =	vld.idx.msk [tilespmem:v10+s2+$0x0], $0xffff;
	_ =	sdelay $0x3  }
0x52: {  	v10 =	vor.u32 s24, v5  }
0x53: {  	v11 =	vshll.u32 v9, $0x1  }
0x54: {  	vm12 =	vlt.s32 v9, $0x7C000;
	v9 =	vadd.s32 $0xFFF0C001, v11  }
0x55: {  	v9 =	vsel vm12, v11, v9  }
0x56: {  	[tilespmem:s23+$0xFFFFFFF0] =	vst v9  }
0x57: {  	v9 =	vld.idx.msk [tilespmem:v10+s2+$0x0], $0xffff;
	_ =	sdelay $0x3  }
0x58: {  	v10 =	vor.u32 s24, v6  }
0x59: {  	v11 =	vshll.u32 v9, $0x1  }
0x5a: {  	vm13 =	vlt.s32 v9, $0x7C000;
	v9 =	vadd.s32 $0xFFF0C001, v11  }
0x5b: {  	v9 =	vsel vm13, v11, v9  }
0x5c: {  	[tilespmem:s23+$0x0] =	vst v9  }
0x5d: {  	v9 =	vld.idx.msk [tilespmem:v10+s2+$0x0], $0xffff;
	_ =	sdelay $0x3  }
0x5e: {  	v10 =	vor.u32 s24, v7  }
0x5f: {  	v11 =	vshll.u32 v9, $0x1  }
0x60: {  	vm14 =	vlt.s32 v9, $0x7C000;
	v9 =	vadd.s32 $0xFFF0C001, v11  }
0x61: {  	v9 =	vsel vm14, v11, v9  }
0x62: {  	[tilespmem:s23+$0x10] =	vst v9  }
0x63: {  	v9 =	vld.idx.msk [tilespmem:v10+s2+$0x0], $0xffff;
	_ =	sdelay $0x4  }
0x64: {  	v10 =	vshll.u32 v9, $0x1  }
0x65: {  	vm15 =	vlt.s32 v9, $0x7C000;
	v9 =	vadd.s32 $0xFFF0C001, v10  }
0x66: {  	v10 =	vsel vm15, v10, v9;
	v9 =	vor.u32 s24, v8;
	_ =	sdelay $0x3  }
0x67: {  	s26 =	sadd.s32 $0x1, s8;
	s25 =	simm.s32 $0x2;
	s24 =	smov.u32 s7;
	[tilespmem:s23+$0x20] =	vst v10  }
.LBB2_2:
0x68: {  	p0 =	sne.s32 s25, $0xC7;
	s26 =	sshrl.u32 s26, $0x5;
	v9 =	vld.idx.msk [tilespmem:v9+s2+$0x0], $0xffff  }
0x69: {  	s24 =	sadd.s32 $0x40, s24;
	s26 =	ssub.s32 s26, s4  }
0x6a: {  	s28 =	sand.u32 $0x7C0, s24;
	s26 =	sshll.u32 s26, $0xC  }
0x6b: {  	s26 =	sor.u32 s28, s26  }
0x6c: {  	v10 =	vor.u32 s26, v0  }
0x6d: {  	v10 =	vor.u32 v1, v10  }
0x6e: {  	v11 =	vshll.u32 v9, $0x1  }
0x6f: {  	vm0 =	vlt.s32 v9, $0x7C000;
	v9 =	vadd.s32 $0xFFF0C001, v11  }
0x70: {  	v9 =	vsel vm0, v11, v9  }
0x71: {  	[tilespmem:s23+$0x30] =	vst v9  }
0x72: {  	v9 =	vld.idx.msk [tilespmem:v10+s2+$0x0], $0xffff;
	_ =	sdelay $0x4  }
0x73: {  	v10 =	vor.u32 s26, v2  }
0x74: {  	v11 =	vshll.u32 v9, $0x1  }
0x75: {  	vm0 =	vlt.s32 v9, $0x7C000;
	v9 =	vadd.s32 $0xFFF0C001, v11  }
0x76: {  	s23 =	sadd.s32 $0x80, s23;
	v9 =	vsel vm0, v11, v9  }
0x77: {  	[tilespmem:s23+$0xFFFFFFC0] =	vst v9  }
0x78: {  	v9 =	vld.idx.msk [tilespmem:v10+s2+$0x0], $0xffff;
	_ =	sdelay $0x4  }
0x79: {  	v10 =	vor.u32 s26, v3  }
0x7a: {  	v11 =	vshll.u32 v9, $0x1  }
0x7b: {  	vm0 =	vlt.s32 v9, $0x7C000;
	v9 =	vadd.s32 $0xFFF0C001, v11  }
0x7c: {  	v9 =	vsel vm0, v11, v9  }
0x7d: {  	[tilespmem:s23+$0xFFFFFFD0] =	vst v9  }
0x7e: {  	v9 =	vld.idx.msk [tilespmem:v10+s2+$0x0], $0xffff;
	_ =	sdelay $0x4  }
0x7f: {  	v10 =	vor.u32 s26, v4  }
0x80: {  	v11 =	vshll.u32 v9, $0x1  }
0x81: {  	vm0 =	vlt.s32 v9, $0x7C000;
	v9 =	vadd.s32 $0xFFF0C001, v11  }
0x82: {  	v9 =	vsel vm0, v11, v9  }
0x83: {  	[tilespmem:s23+$0xFFFFFFE0] =	vst v9  }
0x84: {  	v9 =	vld.idx.msk [tilespmem:v10+s2+$0x0], $0xffff;
	_ =	sdelay $0x4  }
0x85: {  	v10 =	vor.u32 s26, v5  }
0x86: {  	v11 =	vshll.u32 v9, $0x1  }
0x87: {  	vm0 =	vlt.s32 v9, $0x7C000;
	v9 =	vadd.s32 $0xFFF0C001, v11  }
0x88: {  	v9 =	vsel vm0, v11, v9  }
0x89: {  	[tilespmem:s23+$0xFFFFFFF0] =	vst v9  }
0x8a: {  	v9 =	vld.idx.msk [tilespmem:v10+s2+$0x0], $0xffff;
	_ =	sdelay $0x4  }
0x8b: {  	v10 =	vor.u32 s26, v6  }
0x8c: {  	v11 =	vshll.u32 v9, $0x1  }
0x8d: {  	vm0 =	vlt.s32 v9, $0x7C000;
	v9 =	vadd.s32 $0xFFF0C001, v11  }
0x8e: {  	v9 =	vsel vm0, v11, v9  }
0x8f: {  	[tilespmem:s23+$0x0] =	vst v9  }
0x90: {  	v9 =	vld.idx.msk [tilespmem:v10+s2+$0x0], $0xffff;
	_ =	sdelay $0x4  }
0x91: {  	v10 =	vor.u32 s26, v7  }
0x92: {  	v11 =	vshll.u32 v9, $0x1  }
0x93: {  	vm0 =	vlt.s32 v9, $0x7C000;
	v9 =	vadd.s32 $0xFFF0C001, v11  }
0x94: {  	v9 =	vsel vm0, v11, v9  }
0x95: {  	[tilespmem:s23+$0x10] =	vst v9  }
0x96: {  	v10 =	vld.idx.msk [tilespmem:v10+s2+$0x0], $0xffff;
	_ =	sdelay $0x4  }
.Ltmp2:
0x97: {  	v9 =	vor.u32 s26, v8;
	(pc) =	sbr.rel @p0 .LBB2_2-.Ltmp2, $4  }
0x98: {  	v11 =	vshll.u32 v10, $0x1  }
0x99: {  	vm0 =	vlt.s32 v10, $0x7C000;
	v10 =	vadd.s32 $0xFFF0C001, v11  }
0x9a: {  	v10 =	vsel vm0, v11, v10  }
0x9b: {  	s26 =	sadd.s32 s25, s8;
	s25 =	sadd.s32 $0x1, s25;
	[tilespmem:s23+$0x20] =	vst v10  }
0x9c: {  	_ =	sdelay $0x2  }
0x9d: {  	s25 =	sshrl.u32 s26, $0x5  }
0x9e: {  	v9 =	vld.idx.msk [tilespmem:v9+s2+$0x0], $0xffff;
	s24 =	sadd.s32 $0x40, s24;
	s25 =	ssub.s32 s25, s4  }
0x9f: {  	s24 =	sand.u32 $0x7C0, s24;
	s25 =	sshll.u32 s25, $0xC  }
0xa0: {  	s24 =	sor.u32 s24, s25  }
0xa1: {  	v10 =	vor.u32 s24, v0  }
0xa2: {  	v10 =	vor.u32 v1, v10  }
0xa3: {  	v11 =	vshll.u32 v9, $0x1  }
0xa4: {  	vm0 =	vlt.s32 v9, $0x7C000;
	v9 =	vadd.s32 $0xFFF0C001, v11  }
0xa5: {  	v9 =	vsel vm0, v11, v9  }
0xa6: {  	[tilespmem:s23+$0x30] =	vst v9  }
0xa7: {  	v9 =	vld.idx.msk [tilespmem:v10+s2+$0x0], $0xffff;
	_ =	sdelay $0x3  }
0xa8: {  	v10 =	vor.u32 s24, v2  }
0xa9: {  	v11 =	vshll.u32 v9, $0x1  }
0xaa: {  	vm8 =	vlt.s32 v9, $0x7C000;
	v9 =	vadd.s32 $0xFFF0C001, v11  }
0xab: {  	s31 =	sadd.s32 $0x80, s23;
	v9 =	vsel vm8, v11, v9  }
0xac: {  	[tilespmem:s31+$0xFFFFFFC0] =	vst v9  }
0xad: {  	v9 =	vld.idx.msk [tilespmem:v10+s2+$0x0], $0xffff;
	_ =	sdelay $0x3  }
0xae: {  	v10 =	vor.u32 s24, v3  }
0xaf: {  	v11 =	vshll.u32 v9, $0x1  }
0xb0: {  	vm9 =	vlt.s32 v9, $0x7C000;
	v9 =	vadd.s32 $0xFFF0C001, v11  }
0xb1: {  	v9 =	vsel vm9, v11, v9  }
0xb2: {  	[tilespmem:s31+$0xFFFFFFD0] =	vst v9  }
0xb3: {  	v9 =	vld.idx.msk [tilespmem:v10+s2+$0x0], $0xffff;
	_ =	sdelay $0x3  }
0xb4: {  	v10 =	vor.u32 s24, v4  }
0xb5: {  	v11 =	vshll.u32 v9, $0x1  }
0xb6: {  	vm10 =	vlt.s32 v9, $0x7C000;
	v9 =	vadd.s32 $0xFFF0C001, v11  }
0xb7: {  	v9 =	vsel vm10, v11, v9  }
0xb8: {  	[tilespmem:s31+$0xFFFFFFE0] =	vst v9  }
0xb9: {  	v9 =	vld.idx.msk [tilespmem:v10+s2+$0x0], $0xffff;
	_ =	sdelay $0x3  }
0xba: {  	v10 =	vor.u32 s24, v5  }
0xbb: {  	v11 =	vshll.u32 v9, $0x1  }
0xbc: {  	vm11 =	vlt.s32 v9, $0x7C000;
	v9 =	vadd.s32 $0xFFF0C001, v11  }
0xbd: {  	v9 =	vsel vm11, v11, v9  }
0xbe: {  	[tilespmem:s31+$0xFFFFFFF0] =	vst v9  }
0xbf: {  	v9 =	vld.idx.msk [tilespmem:v10+s2+$0x0], $0xffff;
	_ =	sdelay $0x3  }
0xc0: {  	v10 =	vor.u32 s24, v6  }
0xc1: {  	v11 =	vshll.u32 v9, $0x1  }
0xc2: {  	vm12 =	vlt.s32 v9, $0x7C000;
	v9 =	vadd.s32 $0xFFF0C001, v11  }
0xc3: {  	v9 =	vsel vm12, v11, v9  }
0xc4: {  	[tilespmem:s31+$0x0] =	vst v9  }
0xc5: {  	v9 =	vld.idx.msk [tilespmem:v10+s2+$0x0], $0xffff;
	_ =	sdelay $0x3  }
0xc6: {  	v10 =	vor.u32 s24, v7  }
0xc7: {  	v11 =	vshll.u32 v9, $0x1  }
0xc8: {  	vm13 =	vlt.s32 v9, $0x7C000;
	v9 =	vadd.s32 $0xFFF0C001, v11  }
0xc9: {  	v9 =	vsel vm13, v11, v9  }
0xca: {  	[tilespmem:s31+$0x10] =	vst v9  }
0xcb: {  	v9 =	vld.idx.msk [tilespmem:v10+s2+$0x0], $0xffff;
	_ =	sdelay $0x3  }
0xcc: {  	v10 =	vor.u32 s24, v8  }
0xcd: {  	v11 =	vshll.u32 v9, $0x1  }
0xce: {  	vm14 =	vlt.s32 v9, $0x7C000;
	v9 =	vadd.s32 $0xFFF0C001, v11  }
0xcf: {  	v9 =	vsel vm14, v11, v9  }
0xd0: {  	[tilespmem:s31+$0x20] =	vst v9  }
0xd1: {  	v9 =	vld.idx.msk [tilespmem:v10+s2+$0x0], $0xffff;
	_ =	sdelay $0x4  }
0xd2: {  	v10 =	vshll.u32 v9, $0x1  }
0xd3: {  	vm15 =	vlt.s32 v9, $0x7C000;
	v9 =	vadd.s32 $0xFFF0C001, v10  }
0xd4: {  	v9 =	vsel vm15, v10, v9  }
0xd5: {  	[tilespmem:s31+$0x30] =	vst v9  }
0xd6: {  	[tilespmem:s13], [sflag:$0x1] =	stream.indirect.gather [hbm4b:s3+s11], $0x40, s12, s11, $0xb8;
	[tilespmem:$0x1D400] =	vst v63  }
0xd7: {  	_ = 	snop  }
0xd8: {  	[tilespmem:s15], [sflag:$0x1] =	stream.indirect.gather [hbm4b:s3+s11], $0x40, s14, s11, $0xb8;
	[tilespmem:$0x1D400] =	vst v63  }
.Ltmp3:
0xd9: {  	_ = 	snop;
	(pc) =	sbr.rel .LBB2_4-.Ltmp3, $4  }
0xda: {  	_ = 	snop  }
0xdb: {  	[tilespmem:s17], [sflag:$0x1] =	stream.indirect.gather [hbm4b:s3+s11], $0x40, s16, s11, $0xb8;
	[tilespmem:$0x1D400] =	vst v63  }
0xdc: {  	s25 =	simm.s32 $0x0;
	s23 =	simm.s32 $0x0;
	s24 =	smov.u32 s9  }
0xdd: {  	[tilespmem:s19], [sflag:$0x1] =	stream.indirect.gather [hbm4b:s3+s11], $0x40, s18, s11, $0xb8;
	[tilespmem:$0x1D400] =	vst v63  }
.LBB2_7:
0xde: {  	s28 =	sshll.u32 s26, $0xF;
	s29 =	sshra.s32 s23, $0x2  }
0xdf: {  	s30 =	ssub.s32 $0x15400, s28;
	s31 =	sadd.s32 $0x7200, s29  }
0xe0: {  	[tilespmem:s30], [sflag:$0x1] =	stream.indirect.gather [hbm4b:s3+s11], $0x40, s31, s11, $0xb8;
	[tilespmem:$0x1D400] =	vst v63  }
0xe1: {  	s30 =	ssub.s32 $0x17400, s28;
	s31 =	sadd.s32 $0x7280, s29  }
0xe2: {  	[tilespmem:s30], [sflag:$0x1] =	stream.indirect.gather [hbm4b:s3+s11], $0x40, s31, s11, $0xb8;
	[tilespmem:$0x1D400] =	vst v63  }
0xe3: {  	s30 =	sxor.u32 $0x19400, s28;
	s31 =	sadd.s32 $0x7300, s29  }
0xe4: {  	[tilespmem:s30], [sflag:$0x1] =	stream.indirect.gather [hbm4b:s3+s11], $0x40, s31, s11, $0xb8;
	[tilespmem:$0x1D400] =	vst v63  }
0xe5: {  	s28 =	sxor.u32 $0x1B400, s28;
	s29 =	sadd.s32 $0x7380, s29  }
0xe6: {  	[tilespmem:s28], [sflag:$0x1] =	stream.indirect.gather [hbm4b:s3+s11], $0x40, s29, s11, $0xb8;
	[tilespmem:$0x1D400] =	vst v63  }
.LBB2_8:
0xe7: {  	s23 =	sadd.s32 $0x800, s23  }
0xe8: {  	p0 =	sne.s32 s23, $0x19000  }
.Ltmp4:
0xe9: {  	_ =	swait.ge [sflag:s20], $0x8000;
	(pc) =	sbr.rel @!p0 .LBB2_9-.Ltmp4, $4  }
0xea: {  	s26 =	sshll.u32 s26, $0xF;
	[sflag:s20] =	ssyncset.done $0x0  }
0xeb: {  	s26 =	sadd.s32 $0xD400, s26;
	[sflag:s20] =	ssyncadd.s32 $0xFFFF8000  }
0xec: {  	[hbm4b:s24+s2] =	stream.linear.scatter [tilespmem:s26], [sflag:$0x2], $0x8000, $0x38;
	[tilespmem:$0x1D400] =	vst v63  }
0xed: {  	s25 =	sadd.s32 $0x1, s25;
	s24 =	sadd.s32 $0x1000, s24  }
.LBB2_4:
0xee: {  	p0 =	seq.s32 s25, $0x0  }
.Ltmp5:
0xef: {  	_ = 	snop;
	(pc) =	sbr.rel @p0 .LBB2_7-.Ltmp5, $2  }
0xf0: {  	_ =	sdelay $0x2  }
0xf1: {  	s26 =	sand.u32 $0x1, s25  }
0xf2: {  	p0 =	seq.s32 s25, $0x31  }
.Ltmp6:
0xf3: {  	_ = 	snop;
	(pc) =	sbr.rel @p0 .LBB2_8-.Ltmp6, $1  }
0xf4: {  	_ =	sdelay $0x3  }
.Ltmp7:
0xf5: {  	(pc) =	sbr.rel .LBB2_7-.Ltmp7, $4  }
0xf6: {  	_ = 	snop  }
0xf7: {  	_ =	swait.ge [sflag:s21], $0x8000  }
0xf8: {  	[sflag:s21] =	ssyncset.done $0x0  }
0xf9: {  	[sflag:s21] =	ssyncadd.s32 $0xFFFF8000  }
.LBB2_10:
0xfa: {  	_ =	sfence.sel $0x180000  }
0xfb: {  	[bflag:$0x0] =	sbarrier.arrive $0xFFFF  }
0xfc: {  	p0 =	sne.s32 s1, $0x0;
	_ =	strace $0x90000047  }
0xfd: {  	s0 =	sadd.s32 @!p0 $0x100000, s0;
	[bflag:$0x2] =	sbarrier.arrive $0xFFFF  }
0xfe: {  	[sflag:s0] =	ssyncadd.tile.s32 @!p0 $0x1;
	_ =	shalt  }
.Lfunc_end2:
_tile_overlayer_lowered:
.L_overlay_start_2:
0xff: {  	(tag) =	ssettag $0x2  }
0x100: {  	s0 =	rddreg [dreg:$0x0];
	s2 =	stileid.u32  }
0x101: {  	s1 =	rddreg [dreg:$0x1];
	p0 =	sne.s32 s2, $0x0  }
0x102: {  	s3 =	rddreg [dreg:$0x2];
	[bflag:$0x3] =	sbarrier.arrive $0xFFFF;
	s2 =	simm.s32 @!p0 $0x1C03  }
0x103: {  	[timem:s3], [sflag:s2] =	dma.local @!p0 [hbm:s0], s1  }
0x104: {  	s0 =	simm.s32 @!p0 $0x3  }
0x105: {  	_ =	swait.ge @!p0 [sflag:s0], s1  }
0x106: {  	s1 =	ssub.s32 @!p0 $0x0, s1;
	[sflag:s0] =	ssyncset.done @!p0 $0x0  }
0x107: {  	[sflag:s0] =	ssyncadd.s32 @!p0 s1  }
0x108: {  	[bflag:$0x3] =	sbarrier.arrive $0xFFFF  }
0x109: {  	_ =	shalt  }

</sc_bundles>
